<compile_context>
chip_gen: v7x
topology: tpu7x:2x2x1
jax: 0.10.2.dev20260603
libtpu: 0.0.44.dev20260713+nightly
codegen_flags: <defaults>
</compile_context>

<pallas_src>
import functools

import jax
import jax.numpy as jnp
from jax import lax
from jax.experimental import pallas as pl
from jax.experimental.pallas import tpu as pltpu
from jax.experimental.pallas import tpu_sc as plsc

HIDDEN_DIM = 512
BATCH = 16384
DRAIN = 64


def _make_kernel():
    info = plsc.get_sparse_core_info()
    nw = info.num_cores * info.num_subcores
    b_per_w = BATCH // nw

    mesh = plsc.VectorSubcoreMesh(core_axis_name="c", subcore_axis_name="s")

    @functools.partial(
        pl.kernel,
        mesh=mesh,
        out_type=jax.ShapeDtypeStruct((BATCH, HIDDEN_DIM), jnp.float32),
        scratch_types=[
            pltpu.VMEM((2, HIDDEN_DIM), jnp.float32),
            pltpu.VMEM((b_per_w + 16,), jnp.int32),
            pltpu.VMEM((DRAIN, HIDDEN_DIM), jnp.float32),
            pltpu.SemaphoreType.DMA,
        ],
    )
    def k(table_hbm, idx_hbm, out_hbm, table_v, idx_v, dummy_v, sem_s):
        wid = lax.axis_index("s") * info.num_cores + lax.axis_index("c")
        base = wid * b_per_w
        pltpu.sync_copy(table_hbm, table_v)
        pltpu.sync_copy(
            idx_hbm.at[pl.ds(base, b_per_w)], idx_v.at[pl.ds(0, b_per_w)]
        )

        @plsc.parallel_loop(0, b_per_w, 1, unroll=8)
        def body(r):
            s = idx_v[pl.ds(r, 16)][0]
            pltpu.async_copy(
                table_v.at[pl.ds(s, 1)],
                out_hbm.at[pl.ds(base + r, 1)],
                sem_s,
            )

        for c in range(b_per_w // DRAIN):
            pltpu.make_async_copy(
                out_hbm.at[pl.ds(base + c * DRAIN, DRAIN)], dummy_v, sem_s
            ).wait()

    return k


_lookup = _make_kernel()


def kernel(domain_ids, embed_weight):
    return _lookup(embed_weight, domain_ids.astype(jnp.int32))

# --- scband reference (transcript-rebuilt; emitter-appended) ---
"""Pipeline reference for scband-domain-embedding-6794638262580 (READ-ONLY COPY).

The authoritative reference and input builder live on the scoring server;
editing this copy changes nothing except your own understanding.
"""

import jax, jax.numpy as jnp
import numpy as np

HIDDEN_DIM = 512
BATCH = 16384

def setup_inputs(seed: int = 0) -> dict:
    key = jax.random.key(seed)
    k1, k2 = jax.random.split(key)
    domain_ids = jax.random.randint(k1, (BATCH,), 0, 2, dtype=jnp.int64 if jax.config.jax_enable_x64 else jnp.int32)
    # nn.Embedding default init: N(0, 1)
    embed_weight = jax.random.normal(k2, (2, HIDDEN_DIM), dtype=jnp.float32)
    return {"domain_ids": domain_ids, "embed_weight": embed_weight}

def reference(domain_ids, embed_weight):
    # nn.Embedding lookup -> row gather
    return jnp.take(embed_weight, domain_ids, axis=0)

if __name__ == "__main__":
    import jax
    _d = setup_inputs()
    print(jax.jit(kernel)(*tuple(_d.values())))

</pallas_src>

<mosaic_0001>
#map = affine_map<(d0, d1) -> (0, 0)>
#map1 = affine_map<(d0, d1) -> (0)>
module attributes {stable_mosaic.version = 14 : i64} {
  func.func @k(%arg0: i32, %arg1: i32, %arg2: memref<2x512xf32, #tpu.memory_space<hbm>>, %arg3: memref<16384xi32, #tpu.memory_space<hbm>>, %arg4: memref<16384x512xf32, #tpu.memory_space<hbm>>, %arg5: memref<2x512xf32, #tpu.memory_space<vmem>>, %arg6: memref<528xi32, #tpu.memory_space<vmem>>, %arg7: memref<64x512xf32, #tpu.memory_space<vmem>>, %arg8: memref<!tpu.dma_semaphore, #tpu.memory_space<semaphore_mem>>) attributes {dimension_semantics = [#tpu.dimension_semantics<core_parallel>, #tpu.dimension_semantics<subcore_parallel>], iteration_bounds = array<i64: 2, 16>, scalar_prefetch = 0 : i64, scratch_operands = 4 : i64, tpu.core_type = #tpu.core_type<sc_vector_subcore>, window_params = [{transform_indices = #map}, {transform_indices = #map1}, {transform_indices = #map}]} {
    %mul3A = arith.constant 2 : i32
    %mul3A_0 = arith.muli %arg1, %mul3A : i32
    %add3A = arith.addi %mul3A_0, %arg0 : i32
    %mul3A_1 = arith.constant 512 : i32
    %mul3A_2 = arith.muli %add3A, %mul3A_1 : i32
    "tpu.region"() ({
      %run_scoped3A = tpu.sem_alloc : memref<!tpu.dma_semaphore, #tpu.memory_space<semaphore_mem>>
      tpu.enqueue_dma source(%arg2 : memref<2x512xf32, #tpu.memory_space<hbm>>) target(%arg5 : memref<2x512xf32, #tpu.memory_space<vmem>>) target_semaphore(%run_scoped3A : memref<!tpu.dma_semaphore, #tpu.memory_space<semaphore_mem>>)
      tpu.wait_dma2 semaphore(%run_scoped3A : memref<!tpu.dma_semaphore, #tpu.memory_space<semaphore_mem>>) src(%arg2 : memref<2x512xf32, #tpu.memory_space<hbm>>) dst(%arg5 : memref<2x512xf32, #tpu.memory_space<vmem>>)
      tpu.yield
    }) : () -> ()
    "tpu.region"() ({
      %run_scoped3A = tpu.sem_alloc : memref<!tpu.dma_semaphore, #tpu.memory_space<semaphore_mem>>
      %dma_start3A = arith.constant 0 : i32
      %dma_start3A_52 = tpu.memref_slice %arg6[%dma_start3A] : memref<528xi32, #tpu.memory_space<vmem>> -> memref<512xi32, #tpu.memory_space<vmem>>
      %dma_start3A_53 = tpu.memref_slice %arg3[%mul3A_2] : memref<16384xi32, #tpu.memory_space<hbm>> -> memref<512xi32, #tpu.memory_space<hbm>>
      %dma_start3A_54 = arith.constant 0 : i32
      %dma_start3A_55 = tpu.memref_slice %arg6[%dma_start3A_54] : memref<528xi32, #tpu.memory_space<vmem>> -> memref<512xi32, #tpu.memory_space<vmem>>
      %dma_start3A_56 = tpu.memref_slice %arg3[%mul3A_2] : memref<16384xi32, #tpu.memory_space<hbm>> -> memref<512xi32, #tpu.memory_space<hbm>>
      tpu.enqueue_dma source(%dma_start3A_56 : memref<512xi32, #tpu.memory_space<hbm>>) target(%dma_start3A_55 : memref<512xi32, #tpu.memory_space<vmem>>) target_semaphore(%run_scoped3A : memref<!tpu.dma_semaphore, #tpu.memory_space<semaphore_mem>>)
      %dma_wait3A_57 = arith.constant 0 : i32
      %dma_wait3A_58 = tpu.memref_slice %arg6[%dma_wait3A_57] : memref<528xi32, #tpu.memory_space<vmem>> -> memref<512xi32, #tpu.memory_space<vmem>>
      %dma_wait3A_59 = tpu.memref_slice %arg3[%mul3A_2] : memref<16384xi32, #tpu.memory_space<hbm>> -> memref<512xi32, #tpu.memory_space<hbm>>
      %dma_wait3A_60 = arith.constant 0 : i32
      %dma_wait3A_61 = tpu.memref_slice %arg6[%dma_wait3A_60] : memref<528xi32, #tpu.memory_space<vmem>> -> memref<512xi32, #tpu.memory_space<vmem>>
      %dma_wait3A_62 = tpu.memref_slice %arg3[%mul3A_2] : memref<16384xi32, #tpu.memory_space<hbm>> -> memref<512xi32, #tpu.memory_space<hbm>>
      tpu.wait_dma2 semaphore(%run_scoped3A : memref<!tpu.dma_semaphore, #tpu.memory_space<semaphore_mem>>) src(%dma_wait3A_62 : memref<512xi32, #tpu.memory_space<hbm>>) dst(%dma_wait3A_61 : memref<512xi32, #tpu.memory_space<vmem>>)
      tpu.yield
    }) : () -> ()
    %parallel_loop3A = arith.constant 0 : i32
    %parallel_loop3A_3 = arith.constant 512 : i32
    %parallel_loop3A_4 = arith.constant 1 : i32
    scf.for %parallel_loop3A_52 = %parallel_loop3A to %parallel_loop3A_3 step %parallel_loop3A_4  : i32 {
      %parallel_loop3A_53 = arith.index_cast %parallel_loop3A_52 : i32 to index
      %parallel_loop3A_54 = tpu.vector_load %arg6[%parallel_loop3A_53] {strides = array<i32>} : memref<528xi32, #tpu.memory_space<vmem>>, vector<16xi32>,
      %parallel_loop3A_55 = vector.shape_cast %parallel_loop3A_54 : vector<16xi32> to vector<16xi32>
      %parallel_loop3A_56 = vector.extract_strided_slice %parallel_loop3A_55 {offsets = [0], sizes = [1], strides = [1]} : vector<16xi32> to vector<1xi32>
      %parallel_loop3A_57 = vector.extract %parallel_loop3A_56[0] : i32 from vector<1xi32>
      %parallel_loop3A_58 = arith.addi %mul3A_2, %parallel_loop3A_52 : i32
      %parallel_loop3A_59 = arith.constant 0 : i32
      %parallel_loop3A_60 = tpu.memref_slice %arg5[%parallel_loop3A_57, %parallel_loop3A_59] : memref<2x512xf32, #tpu.memory_space<vmem>> -> memref<1x512xf32, #tpu.memory_space<vmem>>
      %parallel_loop3A_61 = arith.constant 0 : i32
      %parallel_loop3A_62 = tpu.memref_slice %arg4[%parallel_loop3A_58, %parallel_loop3A_61] : memref<16384x512xf32, #tpu.memory_space<hbm>> -> memref<1x512xf32, #tpu.memory_space<hbm>>
      %parallel_loop3A_63 = arith.constant 0 : i32
      %parallel_loop3A_64 = tpu.memref_slice %arg4[%parallel_loop3A_58, %parallel_loop3A_63] : memref<16384x512xf32, #tpu.memory_space<hbm>> -> memref<1x512xf32, #tpu.memory_space<hbm>>
      %parallel_loop3A_65 = arith.constant 0 : i32
      %parallel_loop3A_66 = tpu.memref_slice %arg5[%parallel_loop3A_57, %parallel_loop3A_65] : memref<2x512xf32, #tpu.memory_space<vmem>> -> memref<1x512xf32, #tpu.memory_space<vmem>>
      tpu.enqueue_dma source(%parallel_loop3A_66 : memref<1x512xf32, #tpu.memory_space<vmem>>) target(%parallel_loop3A_64 : memref<1x512xf32, #tpu.memory_space<hbm>>) target_semaphore(%arg8 : memref<!tpu.dma_semaphore, #tpu.memory_space<semaphore_mem>>)
    } {sc.loop_unroll_factor = 8 : i64, sc.parallel_access}
    %add3A_5 = arith.constant 0 : i32
    %add3A_6 = arith.addi %mul3A_2, %add3A_5 : i32
    %dma_wait3A = arith.constant 0 : i32
    %dma_wait3A_7 = tpu.memref_slice %arg4[%add3A_6, %dma_wait3A] : memref<16384x512xf32, #tpu.memory_space<hbm>> -> memref<64x512xf32, #tpu.memory_space<hbm>>
    %dma_wait3A_8 = arith.constant 0 : i32
    %dma_wait3A_9 = tpu.memref_slice %arg4[%add3A_6, %dma_wait3A_8] : memref<16384x512xf32, #tpu.memory_space<hbm>> -> memref<64x512xf32, #tpu.memory_space<hbm>>
    tpu.wait_dma2 semaphore(%arg8 : memref<!tpu.dma_semaphore, #tpu.memory_space<semaphore_mem>>) src(%dma_wait3A_9 : memref<64x512xf32, #tpu.memory_space<hbm>>) dst(%arg7 : memref<64x512xf32, #tpu.memory_space<vmem>>)
    %add3A_10 = arith.constant 64 : i32
    %add3A_11 = arith.addi %mul3A_2, %add3A_10 : i32
    %dma_wait3A_12 = arith.constant 0 : i32
    %dma_wait3A_13 = tpu.memref_slice %arg4[%add3A_11, %dma_wait3A_12] : memref<16384x512xf32, #tpu.memory_space<hbm>> -> memref<64x512xf32, #tpu.memory_space<hbm>>
    %dma_wait3A_14 = arith.constant 0 : i32
    %dma_wait3A_15 = tpu.memref_slice %arg4[%add3A_11, %dma_wait3A_14] : memref<16384x512xf32, #tpu.memory_space<hbm>> -> memref<64x512xf32, #tpu.memory_space<hbm>>
    tpu.wait_dma2 semaphore(%arg8 : memref<!tpu.dma_semaphore, #tpu.memory_space<semaphore_mem>>) src(%dma_wait3A_15 : memref<64x512xf32, #tpu.memory_space<hbm>>) dst(%arg7 : memref<64x512xf32, #tpu.memory_space<vmem>>)
    %add3A_16 = arith.constant 128 : i32
    %add3A_17 = arith.addi %mul3A_2, %add3A_16 : i32
    %dma_wait3A_18 = arith.constant 0 : i32
    %dma_wait3A_19 = tpu.memref_slice %arg4[%add3A_17, %dma_wait3A_18] : memref<16384x512xf32, #tpu.memory_space<hbm>> -> memref<64x512xf32, #tpu.memory_space<hbm>>
    %dma_wait3A_20 = arith.constant 0 : i32
    %dma_wait3A_21 = tpu.memref_slice %arg4[%add3A_17, %dma_wait3A_20] : memref<16384x512xf32, #tpu.memory_space<hbm>> -> memref<64x512xf32, #tpu.memory_space<hbm>>
    tpu.wait_dma2 semaphore(%arg8 : memref<!tpu.dma_semaphore, #tpu.memory_space<semaphore_mem>>) src(%dma_wait3A_21 : memref<64x512xf32, #tpu.memory_space<hbm>>) dst(%arg7 : memref<64x512xf32, #tpu.memory_space<vmem>>)
    %add3A_22 = arith.constant 192 : i32
    %add3A_23 = arith.addi %mul3A_2, %add3A_22 : i32
    %dma_wait3A_24 = arith.constant 0 : i32
    %dma_wait3A_25 = tpu.memref_slice %arg4[%add3A_23, %dma_wait3A_24] : memref<16384x512xf32, #tpu.memory_space<hbm>> -> memref<64x512xf32, #tpu.memory_space<hbm>>
    %dma_wait3A_26 = arith.constant 0 : i32
    %dma_wait3A_27 = tpu.memref_slice %arg4[%add3A_23, %dma_wait3A_26] : memref<16384x512xf32, #tpu.memory_space<hbm>> -> memref<64x512xf32, #tpu.memory_space<hbm>>
    tpu.wait_dma2 semaphore(%arg8 : memref<!tpu.dma_semaphore, #tpu.memory_space<semaphore_mem>>) src(%dma_wait3A_27 : memref<64x512xf32, #tpu.memory_space<hbm>>) dst(%arg7 : memref<64x512xf32, #tpu.memory_space<vmem>>)
    %add3A_28 = arith.constant 256 : i32
    %add3A_29 = arith.addi %mul3A_2, %add3A_28 : i32
    %dma_wait3A_30 = arith.constant 0 : i32
    %dma_wait3A_31 = tpu.memref_slice %arg4[%add3A_29, %dma_wait3A_30] : memref<16384x512xf32, #tpu.memory_space<hbm>> -> memref<64x512xf32, #tpu.memory_space<hbm>>
    %dma_wait3A_32 = arith.constant 0 : i32
    %dma_wait3A_33 = tpu.memref_slice %arg4[%add3A_29, %dma_wait3A_32] : memref<16384x512xf32, #tpu.memory_space<hbm>> -> memref<64x512xf32, #tpu.memory_space<hbm>>
    tpu.wait_dma2 semaphore(%arg8 : memref<!tpu.dma_semaphore, #tpu.memory_space<semaphore_mem>>) src(%dma_wait3A_33 : memref<64x512xf32, #tpu.memory_space<hbm>>) dst(%arg7 : memref<64x512xf32, #tpu.memory_space<vmem>>)
    %add3A_34 = arith.constant 320 : i32
    %add3A_35 = arith.addi %mul3A_2, %add3A_34 : i32
    %dma_wait3A_36 = arith.constant 0 : i32
    %dma_wait3A_37 = tpu.memref_slice %arg4[%add3A_35, %dma_wait3A_36] : memref<16384x512xf32, #tpu.memory_space<hbm>> -> memref<64x512xf32, #tpu.memory_space<hbm>>
    %dma_wait3A_38 = arith.constant 0 : i32
    %dma_wait3A_39 = tpu.memref_slice %arg4[%add3A_35, %dma_wait3A_38] : memref<16384x512xf32, #tpu.memory_space<hbm>> -> memref<64x512xf32, #tpu.memory_space<hbm>>
    tpu.wait_dma2 semaphore(%arg8 : memref<!tpu.dma_semaphore, #tpu.memory_space<semaphore_mem>>) src(%dma_wait3A_39 : memref<64x512xf32, #tpu.memory_space<hbm>>) dst(%arg7 : memref<64x512xf32, #tpu.memory_space<vmem>>)
    %add3A_40 = arith.constant 384 : i32
    %add3A_41 = arith.addi %mul3A_2, %add3A_40 : i32
    %dma_wait3A_42 = arith.constant 0 : i32
    %dma_wait3A_43 = tpu.memref_slice %arg4[%add3A_41, %dma_wait3A_42] : memref<16384x512xf32, #tpu.memory_space<hbm>> -> memref<64x512xf32, #tpu.memory_space<hbm>>
    %dma_wait3A_44 = arith.constant 0 : i32
    %dma_wait3A_45 = tpu.memref_slice %arg4[%add3A_41, %dma_wait3A_44] : memref<16384x512xf32, #tpu.memory_space<hbm>> -> memref<64x512xf32, #tpu.memory_space<hbm>>
    tpu.wait_dma2 semaphore(%arg8 : memref<!tpu.dma_semaphore, #tpu.memory_space<semaphore_mem>>) src(%dma_wait3A_45 : memref<64x512xf32, #tpu.memory_space<hbm>>) dst(%arg7 : memref<64x512xf32, #tpu.memory_space<vmem>>)
    %add3A_46 = arith.constant 448 : i32
    %add3A_47 = arith.addi %mul3A_2, %add3A_46 : i32
    %dma_wait3A_48 = arith.constant 0 : i32
    %dma_wait3A_49 = tpu.memref_slice %arg4[%add3A_47, %dma_wait3A_48] : memref<16384x512xf32, #tpu.memory_space<hbm>> -> memref<64x512xf32, #tpu.memory_space<hbm>>
    %dma_wait3A_50 = arith.constant 0 : i32
    %dma_wait3A_51 = tpu.memref_slice %arg4[%add3A_47, %dma_wait3A_50] : memref<16384x512xf32, #tpu.memory_space<hbm>> -> memref<64x512xf32, #tpu.memory_space<hbm>>
    tpu.wait_dma2 semaphore(%arg8 : memref<!tpu.dma_semaphore, #tpu.memory_space<semaphore_mem>>) src(%dma_wait3A_51 : memref<64x512xf32, #tpu.memory_space<hbm>>) dst(%arg7 : memref<64x512xf32, #tpu.memory_space<vmem>>)
    return
  }
}

</mosaic_0001>

<sc_bundles>
// kernel: kernel.3.cloned.1.call-start
scs
__scs_entry_jumppad:
0x0: {  	(pc) =	sbr.rel $0x88, $3  }
0x1: {  	(tag) =	ssettag $0x0;
	lr =	simm.s32 $0x1  }
0x2: {  	[smem:$0x3F9F] =	sst lr;
	_ =	strace $0xD0000000  }
0x3: {  	_ = 	snop  }
0x4: {  	_ = 	snop  }
0x5: {  	_ = 	snop  }
0x6: {  	_ = 	snop  }
0x7: {  	_ = 	snop  }
__scs_overlays_trampoline_lowered:
0x8: {  	[smem:$0x3FAE] =	sst s0  }
0x9: {  	[smem:$0x3FAF] =	sst s1  }
0xa: {  	[smem:$0x3FB0] =	sst s2  }
0xb: {  	[smem:$0x3FB1] =	sst s3  }
0xc: {  	[smem:$0x3FB2] =	sst s4  }
0xd: {  	[smem:$0x3FB3] =	sst s5  }
0xe: {  	[smem:$0x3FB4] =	sst s6  }
0xf: {  	[smem:$0x3FB5] =	sst s7  }
0x10: {  	[smem:$0x3FB6] =	sst s8  }
0x11: {  	[smem:$0x3FB7] =	sst s9;
	s0 =	simm.s32 @!p0 $0x0  }
0x12: {  	s1 =	sld [smem:$0x3F9D];
	s0 =	simm.s32 @p0 $0x1  }
0x13: {  	[smem:$0x3FB8] =	sst s0;
	s0 =	simm.s32 @!p1 $0x0  }
0x14: {  	s2 =	sld [smem:$0x3F9C];
	s0 =	simm.s32 @p1 $0x1  }
0x15: {  	[smem:$0x3FB9] =	sst s0;
	s0 =	simm.s32 @!p2 $0x0  }
0x16: {  	s3 =	sld [smem:$0x3FDB];
	s0 =	simm.s32 @p2 $0x1  }
0x17: {  	s4 =	simm.s32 $0x1BF5;
	[smem:$0x3FBB] =	sst s0  }
0x18: {  	s0 =	sld [smem:$0x3F9E];
	_ =	swait.ge [sflag:s4], $0x0  }
0x19: {  	s7 =	sld [smem:$0x3F9F]  }
0x1a: {  	s8 =	sadd.s32 $0xFFFFE003, lr  }
0x1b: {  	s9 =	sadd.s32 $0xFFFFFEF7, lr;
	s5 =	simm.s32 $0xFFFFFFFF;
	p2 =	slt.u32 s8, $0xFFFFF086  }
0x1c: {  	p1 =	slt.u32 s9, $0xF7A;
	s5 =	simm.s32 @!p2 $0x0  }
0x1d: {  	s5 =	simm.s32 @p1 $0x1;
	p0 =	seq.s32 s7, s2  }
0x1e: {  	s7 =	smul.u32 @!p0 $0xF7A, s2;
	p2 =	seq.s32 @!p0 s5, $0x0  }
0x1f: {  	s9 =	smul.u32 $0xF7A, s1;
	s8 =	simm.s32 @!p0 $0x1BF5;
	p2 =	por !p2, p0  }
0x20: {  	[sflag:s8] =	ssyncset.s32 @!p0 $0xFFFFF086;
	s6 =	sadd.s32 @!p0 s3, s7;
	s7 =	simm.s32 @!p0 $0x108  }
0x21: {  	s3 =	sadd.s32 s3, s9;
	s6 =	sadd.s32 @!p0 $0x88, s6;
	s7 =	simm.s32 @p2 $0x1082  }
0x22: {  	[simem:s7], [sflag:s8] =	dma.local @!p0 [hbm:s6], $0xF7A  }
0x23: {  	s9 =	sor.u32 $0xD0000000, s2;
	s6 =	simm.s32 $0x108;
	_ =	swait.ge @!p0 [sflag:s8], $0x0  }
0x24: {  	s3 =	sadd.s32 $0x88, s3;
	s6 =	simm.s32 @!p1 $0x1082;
	[sflag:s4] =	ssyncset.s32 $0xFFFFF086  }
0x25: {  	[simem:s6], [sflag:s4] =	dma.local [hbm:s3], $0xF7A  }
0x26: {  	[smem:$0x3F9F] =	sst s1;
	(tag) =	ssettag s2;
	_ =	strace s9  }
0x27: {  	s1 =	sld [smem:$0x3FAF]  }
0x28: {  	s2 =	sld [smem:$0x3FB0]  }
0x29: {  	s4 =	sld [smem:$0x3FB2]  }
0x2a: {  	p0 =	seq.s32 s5, $0x0;
	s5 =	sld [smem:$0x3FB3]  }
0x2b: {  	s6 =	sld [smem:$0x3FB4]  }
0x2c: {  	s7 =	sld [smem:$0x3FB5]  }
0x2d: {  	s3 =	simm.s32 $0x108;
	s8 =	sld [smem:$0x3FB6]  }
0x2e: {  	s3 =	simm.s32 @!p0 $0x1082;
	s9 =	sld [smem:$0x3FB7]  }
0x2f: {  	lr =	sadd.s32 s0, s3;
	s0 =	sld [smem:$0x3FAE]  }
0x30: {  	s3 =	sld [smem:$0x3FB1]  }
0x31: {  	[smem:$0x3FBA] =	sst s10  }
0x32: {  	s10 =	sld [smem:$0x3FB8];
	_ =	sdelay $0x3  }
0x33: {  	p0 =	seq.s32 s10, $0x1;
	s10 =	sld [smem:$0x3FBA];
	_ =	sdelay $0x3  }
0x34: {  	[smem:$0x3FBA] =	sst s10  }
0x35: {  	s10 =	sld [smem:$0x3FB9];
	_ =	sdelay $0x3  }
0x36: {  	p1 =	seq.s32 s10, $0x1;
	s10 =	sld [smem:$0x3FBA];
	_ =	sdelay $0x3  }
0x37: {  	[smem:$0x3FBA] =	sst s10  }
0x38: {  	s10 =	sld [smem:$0x3FBB]  }
0x39: {  	_ = 	snop;
	(pc) =	sbr.ind lr, $3  }
0x3a: {  	_ = 	snop  }
0x3b: {  	_ = 	snop  }
0x3c: {  	p2 =	seq.s32 s10, $0x1;
	s10 =	sld [smem:$0x3FBA]  }
0x3d: {  	_ =	shalt  }
0x3e: {  	_ =	shalt  }
0x3f: {  	_ =	shalt  }
0x40: {  	_ =	shalt  }
0x41: {  	_ =	shalt  }
0x42: {  	_ =	shalt  }
0x43: {  	_ =	shalt  }
0x44: {  	_ =	shalt  }
0x45: {  	_ =	shalt  }
0x46: {  	_ =	shalt  }
0x47: {  	_ =	shalt  }
0x48: {  	_ =	shalt  }
0x49: {  	_ =	shalt  }
0x4a: {  	_ =	shalt  }
0x4b: {  	_ =	shalt  }
0x4c: {  	_ =	shalt  }
0x4d: {  	_ =	shalt  }
0x4e: {  	_ =	shalt  }
0x4f: {  	_ =	shalt  }
0x50: {  	_ =	shalt  }
0x51: {  	_ =	shalt  }
0x52: {  	_ =	shalt  }
0x53: {  	_ =	shalt  }
0x54: {  	_ =	shalt  }
0x55: {  	_ =	shalt  }
0x56: {  	_ =	shalt  }
0x57: {  	_ =	shalt  }
0x58: {  	_ =	shalt  }
0x59: {  	_ =	shalt  }
0x5a: {  	_ =	shalt  }
0x5b: {  	_ =	shalt  }
0x5c: {  	_ =	shalt  }
0x5d: {  	_ =	shalt  }
0x5e: {  	_ =	shalt  }
0x5f: {  	_ =	shalt  }
0x60: {  	_ =	shalt  }
0x61: {  	_ =	shalt  }
0x62: {  	_ =	shalt  }
0x63: {  	_ =	shalt  }
0x64: {  	_ =	shalt  }
0x65: {  	_ =	shalt  }
0x66: {  	_ =	shalt  }
0x67: {  	_ =	shalt  }
0x68: {  	_ =	shalt  }
0x69: {  	_ =	shalt  }
0x6a: {  	_ =	shalt  }
0x6b: {  	_ =	shalt  }
0x6c: {  	_ =	shalt  }
0x6d: {  	_ =	shalt  }
0x6e: {  	_ =	shalt  }
0x6f: {  	_ =	shalt  }
0x70: {  	_ =	shalt  }
0x71: {  	_ =	shalt  }
0x72: {  	_ =	shalt  }
0x73: {  	_ =	shalt  }
0x74: {  	_ =	shalt  }
0x75: {  	_ =	shalt  }
0x76: {  	_ =	shalt  }
0x77: {  	_ =	shalt  }
0x78: {  	_ =	shalt  }
0x79: {  	_ =	shalt  }
0x7a: {  	_ =	shalt  }
0x7b: {  	_ =	shalt  }
0x7c: {  	_ =	shalt  }
0x7d: {  	_ =	shalt  }
0x7e: {  	_ =	shalt  }
0x7f: {  	_ =	shalt  }
0x80: {  	_ =	shalt  }
0x81: {  	_ =	shalt  }
0x82: {  	_ =	shalt  }
0x83: {  	_ =	shalt  }
0x84: {  	_ =	shalt  }
0x85: {  	_ =	shalt  }
0x86: {  	_ =	shalt  }
0x87: {  	_ =	shalt  }
.Lfunc_end0:
.L_simem_size_0:
called_computation_lowered:
.L_overlay_start_0:
0x88: {  	s2 =	sld [smem:$0x3FD9]  }
0x89: {  	s3 =	sld [smem:$0x3FFE];
	_ =	sdelay $0x1  }
0x8a: {  	s1 =	srdreg.scid  }
0x8b: {  	s0 =	sand.u32 $0x1, s1  }
0x8c: {  	s18 =	sshll.u32 s0, $0xA;
	s2 =	sadd.s32 s3, s2  }
0x8d: {  	s2 =	sadd.s32 s2, s18  }
0x8e: {  	[smem:$0x3FC6] =	sst s2  }
0x8f: {  	_ = 	snop  }
0x90: {  	s2 =	sld [smem:$0x3FC9]  }
0x91: {  	s19 =	sld [smem:$0x3FC8]  }
0x92: {  	s4 =	sld [smem:$0x3FD0];
	(tm) =	ssettm $0x1  }
0x93: {  	s5 =	sld [smem:$0x3FFB];
	_ =	sdelay $0x3  }
0x94: {  	_ =	strace s5  }
0x95: {  	s5 =	sld [smem:$0x3FFC];
	_ =	sdelay $0x3  }
0x96: {  	_ =	strace s5  }
0x97: {  	s5 =	sld [smem:$0x3FFD];
	_ =	sdelay $0x3  }
0x98: {  	_ =	strace s5  }
0x99: {  	_ =	strace $0x8FFFFFFF  }
0x9a: {  	s20 =	sld [smem:$0x3FDB];
	_ =	sdelay $0x1  }
0x9b: {  	s6 =	simm.s32 $_scs_section_size  }
0x9c: {  	s7 =	simm.s32 $_size__tile_overlayer_lowered;
	s8 =	simm.s32 $_tile_overlayer_lowered  }
0x9d: {  	s23 =	simm.s32 $0x1BFF;
	s22 =	sshll.u32 s8, $0x1;
	s5 =	sadd.s32 s6, s20  }
0x9e: {  	s9 =	simm.s32 $0x0;
	s21 =	sshll.u32 s7, $0x1;
	s7 =	sadd.s32 s22, s5  }
0x9f: {  	[timem:s9], [sflag:s23] =	dma.local [hbm:s7], s21  }
0xa0: {  	_ =	swait.ge [sflag:s23], s21  }
0xa1: {  	s6 =	ssub.s32 $0x0, s21;
	[sflag:s23] =	ssyncset.done $0x0  }
0xa2: {  	[sflag:s23] =	ssyncadd.s32 s6;
	_ =	sdelay $0x1  }
0xa3: {  	s24 =	simm.s32 $0x1B8B  }
0xa4: {  	_ =	swait.ge [sflag:s24], $0x1  }
0xa5: {  	[sflag:s24] =	ssyncset.done $0x0  }
0xa6: {  	s25 =	simm.s32 $0x1B8E;
	[sflag:s24] =	ssyncadd.s32 $0xFFFFFFFF  }
0xa7: {  	s26 =	simm.s32 $execute0_lowered;
	[smem:$0x3FD2] =	sst s25  }
0xa8: {  	s6 =	sshll.u32 s26, $0x1;
	_ =	strace $0x80000046;
	[dreg:$0x1] =	wrdreg $0xFFFFFFFF  }
0xa9: {  	s28 =	simm.s32 $_size_execute0_lowered;
	s5 =	sadd.s32 s5, s6;
	[dreg:$0x0] =	wrdreg $0x0  }
0xaa: {  	s6 =	sshll.u32 s28, $0x1;
	[dreg:$0x2] =	wrdreg s5  }
0xab: {  	[dreg:$0x3] =	wrdreg s6  }
0xac: {  	[dreg:$0x4] =	wrdreg $0xC0  }
0xad: {  	_ =	task [dreg:s9], $0x5FFFF  }
0xae: {  	[dreg:$0x1] =	wrdreg $0xFFFFFFFF  }
0xaf: {  	[dreg:$0x0] =	wrdreg $0x60  }
0xb0: {  	[dreg:$0x2] =	wrdreg s19  }
0xb1: {  	[dreg:$0x3] =	wrdreg s2  }
0xb2: {  	[dreg:$0x4] =	wrdreg s4  }
0xb3: {  	[dreg:$0x5] =	wrdreg $0x9  }
0xb4: {  	_ =	task.clear_ibuf [dreg:s9], $0x6FFFF;
	_ =	strace $0x90000046  }
0xb5: {  	s29 =	simm.s32 $0x9;
	_ =	strace $0x80000048  }
0xb6: {  	_ =	swait.ge [sflag:s29], $0x1  }
0xb7: {  	[sflag:s29] =	ssyncadd.s32 $0xFFFFFFFF  }
0xb8: {  	_ =	strace $0x90000048  }
0xb9: {  	_ =	sfence  }
0xba: {  	s30 =	sld [smem:$0x0];
	_ =	sdelay $0x2  }
0xbb: {  	s31 =	sshll.u32 s1, $0xD;
	s1 =	sshrl.u32 s1, $0x2  }
0xbc: {  	s3 =	sand.u32 $0x4000, s31;
	s1 =	sadd.s32 s1, s30  }
0xbd: {  	s0 =	sor.u32 s3, s0;
	s1 =	sshll.u32 s1, $0x11  }
0xbe: {  	s0 =	sor.u32 s1, s0  }
0xbf: {  	s0 =	sadd.s32 $0x8F2B, s0  }
0xc0: {  	[sflag:s0] =	ssyncadd.remote.s32 $0x1  }
0xc1: {  	_ =	sfence.sel $0xFFFF  }
0xc2: {  	[dreg:$0x0] =	wrdreg $0xFFFFFFFF;
	(pc) =	sbr.abs _section_cstart, $3  }
0xc3: {  	[dreg:$0x1] =	wrdreg $0xFFFFFFFF  }
0xc4: {  	_ =	task.clear_ibuf [dreg:s9], $0x2FFFF;
	_ =	strace $0x9FFFFFFF  }
0xc5: {  	(tm) =	ssettm $0x7FFFFFFF  }
tec
execute0_lowered:
.L_overlay_start_1:
0x0: {  	(tag) =	ssettag $0x1  }
0x1: {  	s1 =	rddreg [dreg:$0x0]  }
0x2: {  	s4 =	rddreg [dreg:$0x1]  }
0x3: {  	s5 =	rddreg [dreg:$0x2]  }
0x4: {  	s0 =	rddreg [dreg:$0x3]  }
0x5: {  	s3 =	simm.s32 $0x0;
	s6 =	srdreg.scid;
	s2 =	stileid.u32  }
0x6: {  	[smem:$0x7FF] =	sst s3;
	s6 =	sand.u32 $0x1, s6;
	s8 =	sshll.u32 s2, $0xA  }
0x7: {  	s31 =	sshll.u32 s2, $0x10;
	_ =	strace $0x80000047;
	s7 =	ssub.s32 $0x2, s6  }
0x8: {  	s9 =	sshll.u32 s6, $0x9;
	s5 =	sadd.s32 s31, s5;
	s6 =	sshll.u32 s6, $0xF  }
0x9: {  	s10 =	sshrl.u32 s7, $0x1;
	s8 =	sor.u32 s9, s8;
	s6 =	sadd.s32 s6, s5  }
0xa: {  	s9 =	simm.s32 $0x1;
	s8 =	sshrl.u32 s8, $0x3;
	s7 =	ssub.s32 s7, s10  }
0xb: {  	s6 =	sadd.s32 $0x70, s6;
	s10 =	simm.s32 $0x0;
	s4 =	sadd.s32 s4, s8  }
0xc: {  	s5 =	smax.u32 s7, $0x1;
	s7 =	simm.s32 $0x2;
	s8 =	simm.s32 $0x400  }
.LBB2_1:
0xd: {  	[tilespmem:s3], [sflag:$0x2] =	stream.linear.gather [hbm4b:s1+s3], $0x400, $0x38;
	[tilespmem:$0x680] =	vst v63  }
0xe: {  	_ =	swait.ge [sflag:s7], $0x400  }
0xf: {  	[sflag:s7] =	ssyncset.done $0x0  }
0x10: {  	[sflag:s7] =	ssyncadd.s32 $0xFFFFFC00  }
0x11: {  	[tilespmem:s8], [sflag:$0x2] =	stream.linear.gather [hbm4b:s4+s3], $0x200, $0x38;
	[tilespmem:$0x680] =	vst v63  }
0x12: {  	_ =	swait.ge [sflag:s7], $0x200  }
0x13: {  	[sflag:s7] =	ssyncset.done $0x0  }
0x14: {  	s16 =	simm.s32 $0x404;
	[sflag:s7] =	ssyncadd.s32 $0xFFFFFE00  }
0x15: {  	v0 =	vld [tilespmem:s16+$0xFFFFFFFC];
	_ =	sdelay $0x4  }
0x16: {  	(v2sf) =	vpush v0, $0x0;
	_ =	sdelay $0xe  }
0x17: {  	s11 =	spop (v2sf)  }
0x18: {  	s12 =	sshll.u32 s11, $0x9;
	s11 =	sshll.u32 s11, $0x7  }
0x19: {  	s12 =	sand.u32 $0xFFFFFC00, s12;
	s11 =	sand.u32 $0x80, s11  }
0x1a: {  	s30 =	sadd.s32 $0xFFFFFF90, s6;
	s11 =	sor.u32 s11, s12  }
0x1b: {  	[hbm4b:s30+s3] =	stream.linear.scatter [tilespmem:s11], [sflag:$0x1], $0x80, $0x38;
	[tilespmem:$0x680] =	vst v63  }
0x1c: {  	s31 =	sadd.s32 $0x10, s6;
	s13 =	sor.u32 $0x100, s11  }
0x1d: {  	[hbm4b:s31+s3] =	stream.linear.scatter [tilespmem:s13], [sflag:$0x1], $0x80, $0x38;
	[tilespmem:$0x680] =	vst v63  }
0x1e: {  	s14 =	sadd.s32 $0x90, s6;
	s13 =	sor.u32 $0x200, s11  }
0x1f: {  	[hbm4b:s14+s3] =	stream.linear.scatter [tilespmem:s13], [sflag:$0x1], $0x80, $0x38;
	[tilespmem:$0x680] =	vst v63  }
0x20: {  	s15 =	sadd.s32 $0x110, s6;
	s11 =	sor.u32 $0x300, s11  }
0x21: {  	[hbm4b:s15+s3] =	stream.linear.scatter [tilespmem:s11], [sflag:$0x1], $0x80, $0x38;
	[tilespmem:$0x680] =	vst v63  }
0x22: {  	v0 =	vld [tilespmem:s16+$0xFFFFFFFD];
	_ =	sdelay $0x4  }
0x23: {  	(v2sf) =	vpush v0, $0x0;
	_ =	sdelay $0xe  }
0x24: {  	s17 =	spop (v2sf)  }
0x25: {  	s18 =	sshll.u32 s17, $0x9;
	s11 =	sshll.u32 s17, $0x7  }
0x26: {  	s12 =	sand.u32 $0xFFFFFC00, s18;
	s11 =	sand.u32 $0x80, s11  }
0x27: {  	s19 =	sadd.s32 $0xFFFFFFA0, s6;
	s11 =	sor.u32 s11, s12  }
0x28: {  	[hbm4b:s19+s3] =	stream.linear.scatter [tilespmem:s11], [sflag:$0x1], $0x80, $0x38;
	[tilespmem:$0x680] =	vst v63  }
0x29: {  	s21 =	sadd.s32 $0x20, s6;
	s20 =	sor.u32 $0x100, s11  }
0x2a: {  	[hbm4b:s21+s3] =	stream.linear.scatter [tilespmem:s20], [sflag:$0x1], $0x80, $0x38;
	[tilespmem:$0x680] =	vst v63  }
0x2b: {  	s23 =	sadd.s32 $0xA0, s6;
	s22 =	sor.u32 $0x200, s11  }
0x2c: {  	[hbm4b:s23+s3] =	stream.linear.scatter [tilespmem:s22], [sflag:$0x1], $0x80, $0x38;
	[tilespmem:$0x680] =	vst v63  }
0x2d: {  	s24 =	sadd.s32 $0x120, s6;
	s11 =	sor.u32 $0x300, s11  }
0x2e: {  	[hbm4b:s24+s3] =	stream.linear.scatter [tilespmem:s11], [sflag:$0x1], $0x80, $0x38;
	[tilespmem:$0x680] =	vst v63  }
0x2f: {  	v0 =	vld [tilespmem:s16+$0xFFFFFFFE];
	_ =	sdelay $0x4  }
0x30: {  	(v2sf) =	vpush v0, $0x0;
	_ =	sdelay $0x8  }
0x31: {  	s13 =	simm.s32 $0x40C  }
0x32: {  	v0 =	vld [tilespmem:s13+$0xFFFFFFFC];
	_ =	sdelay $0x4  }
0x33: {  	(v2sf) =	vpush v0, $0x0;
	s25 =	spop (v2sf)  }
0x34: {  	s26 =	sshll.u32 s25, $0x9;
	s11 =	sshll.u32 s25, $0x7  }
0x35: {  	s12 =	sand.u32 $0xFFFFFC00, s26;
	s11 =	sand.u32 $0x80, s11  }
0x36: {  	s28 =	sadd.s32 $0xFFFFFFB0, s6;
	s11 =	sor.u32 s11, s12  }
0x37: {  	[hbm4b:s28+s3] =	stream.linear.scatter [tilespmem:s11], [sflag:$0x1], $0x80, $0x38;
	[tilespmem:$0x680] =	vst v63  }
0x38: {  	s14 =	sadd.s32 $0x30, s6;
	s29 =	sor.u32 $0x100, s11  }
0x39: {  	[hbm4b:s14+s3] =	stream.linear.scatter [tilespmem:s29], [sflag:$0x1], $0x80, $0x38;
	[tilespmem:$0x680] =	vst v63  }
0x3a: {  	s31 =	sadd.s32 $0xB0, s6;
	s30 =	sor.u32 $0x200, s11  }
0x3b: {  	[hbm4b:s31+s3] =	stream.linear.scatter [tilespmem:s30], [sflag:$0x1], $0x80, $0x38;
	[tilespmem:$0x680] =	vst v63  }
0x3c: {  	s11 =	sor.u32 $0x300, s11;
	s14 =	sadd.s32 $0x130, s6  }
0x3d: {  	[hbm4b:s14+s3] =	stream.linear.scatter [tilespmem:s11], [sflag:$0x1], $0x80, $0x38;
	[tilespmem:$0x680] =	vst v63  }
0x3e: {  	v0 =	vld [tilespmem:s16+$0xFFFFFFFF];
	_ =	sdelay $0x3  }
0x3f: {  	s15 =	spop (v2sf)  }
0x40: {  	s17 =	sshll.u32 s15, $0x9;
	s18 =	sshll.u32 s15, $0x7;
	(v2sf) =	vpush v0, $0x0  }
0x41: {  	s12 =	sand.u32 $0xFFFFFC00, s17;
	s11 =	sadd.s32 $0x200, s6;
	s14 =	sand.u32 $0x80, s18  }
0x42: {  	s12 =	sor.u32 s14, s12;
	s19 =	sadd.s32 $0xFFFFFF90, s11  }
0x43: {  	[hbm4b:s19+s3] =	stream.linear.scatter [tilespmem:s12], [sflag:$0x1], $0x80, $0x38;
	[tilespmem:$0x680] =	vst v63  }
0x44: {  	s20 =	sadd.s32 $0x10, s11;
	s15 =	sor.u32 $0x100, s12  }
0x45: {  	[hbm4b:s20+s3] =	stream.linear.scatter [tilespmem:s15], [sflag:$0x1], $0x80, $0x38;
	[tilespmem:$0x680] =	vst v63  }
0x46: {  	s22 =	sadd.s32 $0x90, s11;
	s21 =	sor.u32 $0x200, s12  }
0x47: {  	[hbm4b:s22+s3] =	stream.linear.scatter [tilespmem:s21], [sflag:$0x1], $0x80, $0x38;
	[tilespmem:$0x680] =	vst v63  }
0x48: {  	s23 =	sadd.s32 $0x110, s11;
	s12 =	sor.u32 $0x300, s12  }
0x49: {  	[hbm4b:s23+s3] =	stream.linear.scatter [tilespmem:s12], [sflag:$0x1], $0x80, $0x38;
	[tilespmem:$0x680] =	vst v63  }
0x4a: {  	v0 =	vld [tilespmem:s13+$0xFFFFFFFD];
	_ =	sdelay $0x4  }
0x4b: {  	(v2sf) =	vpush v0, $0x0;
	s24 =	spop (v2sf)  }
0x4c: {  	s25 =	sshll.u32 s24, $0x9;
	s12 =	sshll.u32 s24, $0x7  }
0x4d: {  	s14 =	sand.u32 $0xFFFFFC00, s25;
	s12 =	sand.u32 $0x80, s12  }
0x4e: {  	s26 =	sadd.s32 $0xFFFFFFC0, s6;
	s12 =	sor.u32 s12, s14  }
0x4f: {  	[hbm4b:s26+s3] =	stream.linear.scatter [tilespmem:s12], [sflag:$0x1], $0x80, $0x38;
	[tilespmem:$0x680] =	vst v63  }
0x50: {  	s29 =	sadd.s32 $0x40, s6;
	s28 =	sor.u32 $0x100, s12  }
0x51: {  	[hbm4b:s29+s3] =	stream.linear.scatter [tilespmem:s28], [sflag:$0x1], $0x80, $0x38;
	[tilespmem:$0x680] =	vst v63  }
0x52: {  	s31 =	sadd.s32 $0xC0, s6;
	s30 =	sor.u32 $0x200, s12  }
0x53: {  	[hbm4b:s31+s3] =	stream.linear.scatter [tilespmem:s30], [sflag:$0x1], $0x80, $0x38;
	[tilespmem:$0x680] =	vst v63  }
0x54: {  	s15 =	sadd.s32 $0x140, s6;
	s12 =	sor.u32 $0x300, s12  }
0x55: {  	[hbm4b:s15+s3] =	stream.linear.scatter [tilespmem:s12], [sflag:$0x1], $0x80, $0x38;
	[tilespmem:$0x680] =	vst v63  }
0x56: {  	v0 =	vld [tilespmem:s16+$0x0];
	_ =	sdelay $0x3  }
0x57: {  	s17 =	spop (v2sf)  }
0x58: {  	s18 =	sshll.u32 s17, $0x9;
	s12 =	sshll.u32 s17, $0x7;
	(v2sf) =	vpush v0, $0x0  }
0x59: {  	s14 =	sand.u32 $0xFFFFFC00, s18;
	s12 =	sand.u32 $0x80, s12  }
0x5a: {  	s19 =	sadd.s32 $0xFFFFFFA0, s11;
	s12 =	sor.u32 s12, s14  }
0x5b: {  	[hbm4b:s19+s3] =	stream.linear.scatter [tilespmem:s12], [sflag:$0x1], $0x80, $0x38;
	[tilespmem:$0x680] =	vst v63  }
0x5c: {  	s21 =	sadd.s32 $0x20, s11;
	s20 =	sor.u32 $0x100, s12  }
0x5d: {  	[hbm4b:s21+s3] =	stream.linear.scatter [tilespmem:s20], [sflag:$0x1], $0x80, $0x38;
	[tilespmem:$0x680] =	vst v63  }
0x5e: {  	s23 =	sadd.s32 $0xA0, s11;
	s22 =	sor.u32 $0x200, s12  }
0x5f: {  	[hbm4b:s23+s3] =	stream.linear.scatter [tilespmem:s22], [sflag:$0x1], $0x80, $0x38;
	[tilespmem:$0x680] =	vst v63  }
0x60: {  	s24 =	sadd.s32 $0x120, s11;
	s12 =	sor.u32 $0x300, s12  }
0x61: {  	[hbm4b:s24+s3] =	stream.linear.scatter [tilespmem:s12], [sflag:$0x1], $0x80, $0x38;
	[tilespmem:$0x680] =	vst v63  }
0x62: {  	v0 =	vld [tilespmem:s13+$0xFFFFFFFE];
	_ =	sdelay $0x4  }
0x63: {  	(v2sf) =	vpush v0, $0x0;
	s25 =	spop (v2sf)  }
0x64: {  	s26 =	sshll.u32 s25, $0x9;
	s12 =	sshll.u32 s25, $0x7  }
0x65: {  	s14 =	sand.u32 $0xFFFFFC00, s26;
	s12 =	sand.u32 $0x80, s12  }
0x66: {  	s28 =	sadd.s32 $0xFFFFFFD0, s6;
	s14 =	sor.u32 s12, s14  }
0x67: {  	[hbm4b:s28+s3] =	stream.linear.scatter [tilespmem:s14], [sflag:$0x1], $0x80, $0x38;
	[tilespmem:$0x680] =	vst v63  }
0x68: {  	s29 =	sadd.s32 $0x50, s6;
	s12 =	simm.s32 $0x414;
	s30 =	sor.u32 $0x100, s14  }
0x69: {  	v0 =	vld [tilespmem:s12+$0xFFFFFFFC];
	[hbm4b:s29+s3] =	stream.linear.scatter [tilespmem:s30], [sflag:$0x1], $0x80, $0x38  }
0x6a: {  	s17 =	sadd.s32 $0xD0, s6;
	s31 =	sor.u32 $0x200, s14  }
0x6b: {  	[hbm4b:s17+s3] =	stream.linear.scatter [tilespmem:s31], [sflag:$0x1], $0x80, $0x38;
	[tilespmem:$0x680] =	vst v63  }
0x6c: {  	s14 =	sor.u32 $0x300, s14;
	s17 =	sadd.s32 $0x150, s6  }
0x6d: {  	[hbm4b:s17+s3] =	stream.linear.scatter [tilespmem:s14], [sflag:$0x1], $0x80, $0x38;
	[tilespmem:$0x680] =	vst v63  }
0x6e: {  	(v2sf) =	vpush v0, $0x0;
	v1 =	vld [tilespmem:s16+$0x1];
	_ =	sdelay $0x3  }
0x6f: {  	s18 =	spop (v2sf)  }
0x70: {  	s19 =	sshll.u32 s18, $0x9;
	s14 =	sshll.u32 s18, $0x7;
	(v2sf) =	vpush v1, $0x0  }
0x71: {  	s15 =	sand.u32 $0xFFFFFC00, s19;
	s14 =	sand.u32 $0x80, s14  }
0x72: {  	s20 =	sadd.s32 $0xFFFFFFB0, s11;
	s14 =	sor.u32 s14, s15  }
0x73: {  	[hbm4b:s20+s3] =	stream.linear.scatter [tilespmem:s14], [sflag:$0x1], $0x80, $0x38;
	[tilespmem:$0x680] =	vst v63  }
0x74: {  	s22 =	sadd.s32 $0x30, s11;
	s21 =	sor.u32 $0x100, s14  }
0x75: {  	[hbm4b:s22+s3] =	stream.linear.scatter [tilespmem:s21], [sflag:$0x1], $0x80, $0x38;
	[tilespmem:$0x680] =	vst v63  }
0x76: {  	s24 =	sadd.s32 $0xB0, s11;
	s23 =	sor.u32 $0x200, s14  }
0x77: {  	[hbm4b:s24+s3] =	stream.linear.scatter [tilespmem:s23], [sflag:$0x1], $0x80, $0x38;
	[tilespmem:$0x680] =	vst v63  }
0x78: {  	s25 =	sadd.s32 $0x130, s11;
	s14 =	sor.u32 $0x300, s14  }
0x79: {  	[hbm4b:s25+s3] =	stream.linear.scatter [tilespmem:s14], [sflag:$0x1], $0x80, $0x38;
	[tilespmem:$0x680] =	vst v63  }
0x7a: {  	v0 =	vld [tilespmem:s13+$0xFFFFFFFF];
	s26 =	spop (v2sf)  }
0x7b: {  	s28 =	sshll.u32 s26, $0x9;
	s14 =	sshll.u32 s26, $0x7  }
0x7c: {  	s19 =	sadd.s32 $0x200, s11;
	s15 =	sand.u32 $0xFFFFFC00, s28;
	s14 =	sand.u32 $0x80, s14  }
0x7d: {  	s30 =	sadd.s32 $0xFFFFFF90, s19;
	s14 =	sor.u32 s14, s15  }
0x7e: {  	[hbm4b:s30+s3] =	stream.linear.scatter [tilespmem:s14], [sflag:$0x1], $0x80, $0x38;
	[tilespmem:$0x680] =	vst v63  }
0x7f: {  	s29 =	sadd.s32 $0x10, s19;
	s18 =	spop (v2sf);
	(v2sf) =	vpush v0, $0x0  }
0x80: {  	s22 =	sadd.s32 $0x90, s19;
	s24 =	sadd.s32 $0x110, s19;
	s31 =	sor.u32 $0x100, s14  }
0x81: {  	[hbm4b:s29+s3] =	stream.linear.scatter [tilespmem:s31], [sflag:$0x1], $0x80, $0x38;
	[tilespmem:$0x680] =	vst v63  }
0x82: {  	s17 =	sor.u32 $0x200, s14;
	s20 =	sshll.u32 s18, $0x9;
	s18 =	sshll.u32 s18, $0x7  }
0x83: {  	[hbm4b:s22+s3] =	stream.linear.scatter [tilespmem:s17], [sflag:$0x1], $0x80, $0x38;
	[tilespmem:$0x680] =	vst v63  }
0x84: {  	s14 =	sor.u32 $0x300, s14;
	s21 =	sand.u32 $0xFFFFFC00, s20;
	s23 =	sand.u32 $0x80, s18  }
0x85: {  	[hbm4b:s24+s3] =	stream.linear.scatter [tilespmem:s14], [sflag:$0x1], $0x80, $0x38;
	[tilespmem:$0x680] =	vst v63  }
0x86: {  	s26 =	sadd.s32 $0xFFFFFFE0, s6;
	s25 =	sor.u32 s23, s21  }
0x87: {  	[hbm4b:s26+s3] =	stream.linear.scatter [tilespmem:s25], [sflag:$0x1], $0x80, $0x38;
	[tilespmem:$0x680] =	vst v63  }
0x88: {  	s28 =	sadd.s32 $0x60, s6;
	s17 =	sor.u32 $0x100, s25  }
0x89: {  	[hbm4b:s28+s3] =	stream.linear.scatter [tilespmem:s17], [sflag:$0x1], $0x80, $0x38;
	[tilespmem:$0x680] =	vst v63  }
0x8a: {  	s30 =	sadd.s32 $0xE0, s6;
	s29 =	sor.u32 $0x200, s25  }
0x8b: {  	v0 =	vld [tilespmem:s12+$0xFFFFFFFD];
	[hbm4b:s30+s3] =	stream.linear.scatter [tilespmem:s29], [sflag:$0x1], $0x80, $0x38  }
0x8c: {  	s31 =	sadd.s32 $0x160, s6;
	s14 =	sor.u32 $0x300, s25  }
0x8d: {  	[hbm4b:s31+s3] =	stream.linear.scatter [tilespmem:s14], [sflag:$0x1], $0x80, $0x38;
	[tilespmem:$0x680] =	vst v63  }
0x8e: {  	s15 =	spop (v2sf)  }
0x8f: {  	s17 =	sshll.u32 s15, $0x9;
	s14 =	sshll.u32 s15, $0x7  }
0x90: {  	(v2sf) =	vpush v0, $0x0;
	s15 =	sand.u32 $0xFFFFFC00, s17;
	s14 =	sand.u32 $0x80, s14  }
0x91: {  	s18 =	sadd.s32 $0xFFFFFFC0, s11;
	s14 =	sor.u32 s14, s15  }
0x92: {  	v1 =	vld [tilespmem:s16+$0x2];
	[hbm4b:s18+s3] =	stream.linear.scatter [tilespmem:s14], [sflag:$0x1], $0x80, $0x38  }
0x93: {  	s21 =	sadd.s32 $0x40, s11;
	s20 =	sor.u32 $0x100, s14  }
0x94: {  	[hbm4b:s21+s3] =	stream.linear.scatter [tilespmem:s20], [sflag:$0x1], $0x80, $0x38;
	[tilespmem:$0x680] =	vst v63  }
0x95: {  	s23 =	sadd.s32 $0xC0, s11;
	s22 =	sor.u32 $0x200, s14  }
0x96: {  	[hbm4b:s23+s3] =	stream.linear.scatter [tilespmem:s22], [sflag:$0x1], $0x80, $0x38;
	[tilespmem:$0x680] =	vst v63  }
0x97: {  	s24 =	sadd.s32 $0x140, s11;
	(v2sf) =	vpush v1, $0x0;
	s14 =	sor.u32 $0x300, s14  }
0x98: {  	[hbm4b:s24+s3] =	stream.linear.scatter [tilespmem:s14], [sflag:$0x1], $0x80, $0x38;
	[tilespmem:$0x680] =	vst v63  }
0x99: {  	v0 =	vld [tilespmem:s13+$0x0];
	_ =	sdelay $0x4  }
0x9a: {  	(v2sf) =	vpush v0, $0x0  }
0x9b: {  	s25 =	spop (v2sf)  }
0x9c: {  	s26 =	sshll.u32 s25, $0x9;
	s14 =	sshll.u32 s25, $0x7  }
0x9d: {  	s15 =	sand.u32 $0xFFFFFC00, s26;
	s14 =	sand.u32 $0x80, s14  }
0x9e: {  	s30 =	sadd.s32 $0xFFFFFFA0, s19;
	s14 =	sor.u32 s14, s15  }
0x9f: {  	[hbm4b:s30+s3] =	stream.linear.scatter [tilespmem:s14], [sflag:$0x1], $0x80, $0x38;
	[tilespmem:$0x680] =	vst v63  }
0xa0: {  	s17 =	smov.u32 s6;
	s22 =	sadd.s32 $0x20, s19;
	s21 =	sor.u32 $0x100, s14  }
0xa1: {  	[hbm4b:s22+s3] =	stream.linear.scatter [tilespmem:s21], [sflag:$0x1], $0x80, $0x38;
	[tilespmem:$0x680] =	vst v63  }
0xa2: {  	s25 =	sadd.s32 $0xA0, s19;
	s26 =	sadd.s32 $0x120, s19;
	s28 =	spop (v2sf)  }
0xa3: {  	s24 =	sor.u32 $0x200, s14;
	s29 =	sshll.u32 s28, $0x9;
	s31 =	sshll.u32 s28, $0x7  }
0xa4: {  	[hbm4b:s25+s3] =	stream.linear.scatter [tilespmem:s24], [sflag:$0x1], $0x80, $0x38;
	[tilespmem:$0x680] =	vst v63  }
0xa5: {  	s14 =	sor.u32 $0x300, s14;
	s23 =	sand.u32 $0xFFFFFC00, s29;
	s15 =	sand.u32 $0x80, s31  }
0xa6: {  	[hbm4b:s26+s3] =	stream.linear.scatter [tilespmem:s14], [sflag:$0x1], $0x80, $0x38;
	[tilespmem:$0x680] =	vst v63  }
0xa7: {  	s18 =	sadd.s32 $0x180, s6;
	s28 =	sadd.s32 $0xFFFFFFF0, s6;
	s23 =	sor.u32 s15, s23;
	v0 =	vld [tilespmem:s12+$0xFFFFFFFE]  }
0xa8: {  	[hbm4b:s28+s3] =	stream.linear.scatter [tilespmem:s23], [sflag:$0x1], $0x80, $0x38;
	[tilespmem:$0x680] =	vst v63  }
0xa9: {  	s20 =	sadd.s32 $0x50, s19;
	s22 =	sadd.s32 $0x50, s11;
	s29 =	spop (v2sf)  }
0xaa: {  	s21 =	simm.s32 $0x18;
	s30 =	sshll.u32 s29, $0x9;
	s14 =	sshll.u32 s29, $0x7  }
0xab: {  	s31 =	sadd.s32 $0xFFFFFFD0, s11;
	s15 =	sand.u32 $0xFFFFFC00, s30;
	s14 =	sand.u32 $0x80, s14  }
0xac: {  	(v2sf) =	vpush v0, $0x0;
	s24 =	sor.u32 s14, s15;
	s15 =	simm.s32 $0x41C;
	s14 =	smov.u32 s19  }
0xad: {  	[hbm4b:s31+s3] =	stream.linear.scatter [tilespmem:s24], [sflag:$0x1], $0x80, $0x38;
	v0 =	vld [tilespmem:s15+$0xFFFFFFFC]  }
.LBB2_2:
0xae: {  	s21 =	sadd.s32 $0x8, s21;
	s25 =	sor.u32 $0x100, s24  }
0xaf: {  	[hbm4b:s22+s3] =	stream.linear.scatter [tilespmem:s25], [sflag:$0x1], $0x80, $0x38;
	[tilespmem:$0x680] =	vst v63  }
0xb0: {  	p0 =	slt.u32 s21, $0x1F8;
	s22 =	sor.u32 $0x200, s24;
	s25 =	sadd.s32 $0xD0, s11  }
0xb1: {  	[hbm4b:s25+s3] =	stream.linear.scatter [tilespmem:s22], [sflag:$0x1], $0x80, $0x38;
	[tilespmem:$0x680] =	vst v63  }
0xb2: {  	s24 =	sor.u32 $0x300, s24;
	s25 =	sadd.s32 $0x150, s11;
	s22 =	smov.u32 s20  }
0xb3: {  	[hbm4b:s25+s3] =	stream.linear.scatter [tilespmem:s24], [sflag:$0x1], $0x80, $0x38;
	[tilespmem:$0x680] =	vst v63  }
0xb4: {  	s20 =	sor.u32 $0x100, s23;
	s24 =	sadd.s32 $0x70, s17;
	(v2sf) =	vpush v0, $0x0;
	v0 =	vld [tilespmem:s13+$0x1]  }
0xb5: {  	[hbm4b:s24+s3] =	stream.linear.scatter [tilespmem:s20], [sflag:$0x1], $0x80, $0x38;
	[tilespmem:$0x680] =	vst v63  }
0xb6: {  	s20 =	sor.u32 $0x200, s23;
	s24 =	sadd.s32 $0xF0, s17  }
0xb7: {  	[hbm4b:s24+s3] =	stream.linear.scatter [tilespmem:s20], [sflag:$0x1], $0x80, $0x38;
	[tilespmem:$0x680] =	vst v63  }
0xb8: {  	s20 =	sor.u32 $0x300, s23;
	s23 =	sadd.s32 $0x170, s17  }
0xb9: {  	(v2sf) =	vpush v0, $0x0;
	[hbm4b:s23+s3] =	stream.linear.scatter [tilespmem:s20], [sflag:$0x1], $0x80, $0x38;
	[tilespmem:$0x680] =	vst v63  }
0xba: {  	v0 =	vld [tilespmem:s16+$0x3];
	s16 =	smov.u32 s13;
	s13 =	smov.u32 s12;
	s12 =	smov.u32 s15  }
0xbb: {  	s20 =	spop (v2sf)  }
0xbc: {  	s23 =	sshll.u32 s20, $0x9;
	s20 =	sshll.u32 s20, $0x7  }
0xbd: {  	s23 =	sand.u32 $0xFFFFFC00, s23;
	s20 =	sand.u32 $0x80, s20  }
0xbe: {  	s20 =	sor.u32 s20, s23;
	s23 =	sadd.s32 $0xFFFFFFB0, s19  }
0xbf: {  	[hbm4b:s23+s3] =	stream.linear.scatter [tilespmem:s20], [sflag:$0x1], $0x80, $0x38;
	[tilespmem:$0x680] =	vst v63  }
0xc0: {  	s24 =	sadd.s32 $0x30, s19;
	s23 =	sor.u32 $0x100, s20;
	(v2sf) =	vpush v0, $0x0  }
0xc1: {  	[hbm4b:s24+s3] =	stream.linear.scatter [tilespmem:s23], [sflag:$0x1], $0x80, $0x38;
	[tilespmem:$0x680] =	vst v63  }
0xc2: {  	s19 =	sadd.s32 $0x200, s19;
	s23 =	sadd.s32 $0x130, s14;
	s24 =	sadd.s32 $0x60, s11  }
0xc3: {  	s28 =	sadd.s32 $0xB0, s14;
	s26 =	sor.u32 $0x200, s20;
	s25 =	spop (v2sf)  }
0xc4: {  	[hbm4b:s28+s3] =	stream.linear.scatter [tilespmem:s26], [sflag:$0x1], $0x80, $0x38;
	[tilespmem:$0x680] =	vst v63  }
0xc5: {  	s26 =	sshll.u32 s25, $0x9;
	s25 =	sshll.u32 s25, $0x7;
	s28 =	sadd.s32 $0x10, s19  }
0xc6: {  	s20 =	sor.u32 $0x300, s20;
	s26 =	sand.u32 $0xFFFFFC00, s26;
	s25 =	sand.u32 $0x80, s25  }
0xc7: {  	[hbm4b:s23+s3] =	stream.linear.scatter [tilespmem:s20], [sflag:$0x1], $0x80, $0x38;
	[tilespmem:$0x680] =	vst v63  }
0xc8: {  	s23 =	sor.u32 s25, s26;
	s20 =	sadd.s32 $0xFFFFFF90, s19;
	v0 =	vld [tilespmem:s13+$0xFFFFFFFF];
	s25 =	spop (v2sf)  }
0xc9: {  	s26 =	sor.u32 $0x100, s23;
	s29 =	sshll.u32 s25, $0x9;
	s25 =	sshll.u32 s25, $0x7  }
0xca: {  	[hbm4b:s20+s3] =	stream.linear.scatter [tilespmem:s23], [sflag:$0x1], $0x80, $0x38;
	[tilespmem:$0x680] =	vst v63  }
0xcb: {  	s30 =	sor.u32 $0x200, s23;
	s29 =	sand.u32 $0xFFFFFC00, s29;
	s25 =	sand.u32 $0x80, s25  }
0xcc: {  	[hbm4b:s28+s3] =	stream.linear.scatter [tilespmem:s26], [sflag:$0x1], $0x80, $0x38;
	[tilespmem:$0x680] =	vst v63  }
0xcd: {  	s20 =	sadd.s32 $0x50, s19;
	s25 =	sor.u32 s25, s29;
	s26 =	sadd.s32 $0x90, s19;
	(v2sf) =	vpush v0, $0x0  }
0xce: {  	[hbm4b:s26+s3] =	stream.linear.scatter [tilespmem:s30], [sflag:$0x1], $0x80, $0x38;
	[tilespmem:$0x680] =	vst v63  }
0xcf: {  	s23 =	sor.u32 $0x300, s23;
	s26 =	sadd.s32 $0x110, s19;
	s28 =	spop (v2sf)  }
0xd0: {  	[hbm4b:s26+s3] =	stream.linear.scatter [tilespmem:s23], [sflag:$0x1], $0x80, $0x38;
	[tilespmem:$0x680] =	vst v63  }
0xd1: {  	s23 =	sadd.s32 $0xFFFFFFE0, s11;
	s26 =	sshll.u32 s28, $0x9;
	s28 =	sshll.u32 s28, $0x7  }
0xd2: {  	[hbm4b:s23+s3] =	stream.linear.scatter [tilespmem:s25], [sflag:$0x1], $0x80, $0x38;
	[tilespmem:$0x680] =	vst v63  }
0xd3: {  	s26 =	sand.u32 $0xFFFFFC00, s26;
	s28 =	sand.u32 $0x80, s28;
	s23 =	sor.u32 $0x100, s25  }
0xd4: {  	[hbm4b:s24+s3] =	stream.linear.scatter [tilespmem:s23], [sflag:$0x1], $0x80, $0x38;
	[tilespmem:$0x680] =	vst v63  }
0xd5: {  	s26 =	sor.u32 s28, s26;
	s23 =	sor.u32 $0x200, s25;
	s24 =	sadd.s32 $0xE0, s11  }
0xd6: {  	[hbm4b:s24+s3] =	stream.linear.scatter [tilespmem:s23], [sflag:$0x1], $0x80, $0x38;
	[tilespmem:$0x680] =	vst v63  }
0xd7: {  	s23 =	sor.u32 $0x300, s25;
	s24 =	sadd.s32 $0x160, s11  }
0xd8: {  	v0 =	vld [tilespmem:s15+$0xFFFFFFFD];
	[hbm4b:s24+s3] =	stream.linear.scatter [tilespmem:s23], [sflag:$0x1], $0x80, $0x38  }
0xd9: {  	v1 =	vld [tilespmem:s16+$0x2]  }
0xda: {  	[hbm4b:s17+s3] =	stream.linear.scatter [tilespmem:s26], [sflag:$0x1], $0x80, $0x38;
	[tilespmem:$0x680] =	vst v63  }
0xdb: {  	_ = 	snop  }
0xdc: {  	s23 =	spop (v2sf)  }
0xdd: {  	s24 =	sshll.u32 s23, $0x9;
	s23 =	sshll.u32 s23, $0x7  }
0xde: {  	(v2sf) =	vpush v0, $0x0;
	s24 =	sand.u32 $0xFFFFFC00, s24;
	s23 =	sand.u32 $0x80, s23  }
0xdf: {  	s23 =	sor.u32 s23, s24;
	s24 =	sadd.s32 $0xFFFFFFC0, s14;
	(v2sf) =	vpush v1, $0x0  }
0xe0: {  	[hbm4b:s24+s3] =	stream.linear.scatter [tilespmem:s23], [sflag:$0x1], $0x80, $0x38;
	[tilespmem:$0x680] =	vst v63  }
0xe1: {  	s25 =	sadd.s32 $0x40, s14;
	s24 =	sor.u32 $0x100, s23  }
0xe2: {  	[hbm4b:s25+s3] =	stream.linear.scatter [tilespmem:s24], [sflag:$0x1], $0x80, $0x38;
	[tilespmem:$0x680] =	vst v63  }
0xe3: {  	s24 =	sor.u32 $0x200, s23;
	s25 =	sadd.s32 $0xC0, s14  }
0xe4: {  	[hbm4b:s25+s3] =	stream.linear.scatter [tilespmem:s24], [sflag:$0x1], $0x80, $0x38;
	[tilespmem:$0x680] =	vst v63  }
0xe5: {  	s23 =	sor.u32 $0x300, s23;
	s24 =	sadd.s32 $0x140, s14  }
0xe6: {  	[hbm4b:s24+s3] =	stream.linear.scatter [tilespmem:s23], [sflag:$0x1], $0x80, $0x38;
	[tilespmem:$0x680] =	vst v63  }
0xe7: {  	s23 =	sor.u32 $0x100, s26;
	s24 =	sadd.s32 $0x80, s17;
	v0 =	vld [tilespmem:s13+$0x0]  }
0xe8: {  	[hbm4b:s24+s3] =	stream.linear.scatter [tilespmem:s23], [sflag:$0x1], $0x80, $0x38;
	[tilespmem:$0x680] =	vst v63  }
0xe9: {  	s23 =	sor.u32 $0x200, s26;
	s24 =	sadd.s32 $0x100, s17;
	s17 =	smov.u32 s11  }
0xea: {  	[hbm4b:s24+s3] =	stream.linear.scatter [tilespmem:s23], [sflag:$0x1], $0x80, $0x38;
	[tilespmem:$0x680] =	vst v63  }
0xeb: {  	s11 =	smov.u32 s14;
	s14 =	smov.u32 s19;
	s23 =	sor.u32 $0x300, s26  }
0xec: {  	(v2sf) =	vpush v0, $0x0;
	[hbm4b:s18+s3] =	stream.linear.scatter [tilespmem:s23], [sflag:$0x1], $0x80, $0x38;
	[tilespmem:$0x680] =	vst v63  }
0xed: {  	s18 =	spop (v2sf)  }
0xee: {  	s23 =	sshll.u32 s18, $0x9;
	s18 =	sshll.u32 s18, $0x7;
	s24 =	spop (v2sf)  }
0xef: {  	s25 =	sshll.u32 s24, $0x9;
	s24 =	sshll.u32 s24, $0x7  }
0xf0: {  	s23 =	sand.u32 $0xFFFFFC00, s23;
	s18 =	sand.u32 $0x80, s18;
	s25 =	sand.u32 $0xFFFFFC00, s25  }
0xf1: {  	s18 =	sor.u32 s18, s23;
	s23 =	sadd.s32 $0xFFFFFFA0, s19;
	s24 =	sand.u32 $0x80, s24  }
0xf2: {  	[hbm4b:s23+s3] =	stream.linear.scatter [tilespmem:s18], [sflag:$0x1], $0x80, $0x38;
	[tilespmem:$0x680] =	vst v63  }
0xf3: {  	s28 =	sadd.s32 $0x20, s19;
	s26 =	sor.u32 $0x100, s18;
	s23 =	sor.u32 s24, s25  }
0xf4: {  	[hbm4b:s28+s3] =	stream.linear.scatter [tilespmem:s26], [sflag:$0x1], $0x80, $0x38;
	[tilespmem:$0x680] =	vst v63  }
0xf5: {  	s24 =	sor.u32 $0x200, s18;
	s25 =	sadd.s32 $0xA0, s19  }
0xf6: {  	[hbm4b:s25+s3] =	stream.linear.scatter [tilespmem:s24], [sflag:$0x1], $0x80, $0x38;
	[tilespmem:$0x680] =	vst v63  }
0xf7: {  	s18 =	sor.u32 $0x300, s18;
	s24 =	sadd.s32 $0x120, s19  }
0xf8: {  	[hbm4b:s24+s3] =	stream.linear.scatter [tilespmem:s18], [sflag:$0x1], $0x80, $0x38;
	[tilespmem:$0x680] =	vst v63  }
0xf9: {  	s18 =	sadd.s32 $0xFFFFFFF0, s17;
	v0 =	vld [tilespmem:s15+$0xFFFFFFFE]  }
0xfa: {  	[hbm4b:s18+s3] =	stream.linear.scatter [tilespmem:s23], [sflag:$0x1], $0x80, $0x38;
	[tilespmem:$0x680] =	vst v63  }
.Ltmp0:
0xfb: {  	s18 =	spop (v2sf);
	(pc) =	sbr.rel @p0 .LBB2_2-.Ltmp0, $4  }
0xfc: {  	s24 =	sshll.u32 s18, $0x9;
	s18 =	sshll.u32 s18, $0x7  }
0xfd: {  	s24 =	sand.u32 $0xFFFFFC00, s24;
	s25 =	sand.u32 $0x80, s18;
	s18 =	sadd.s32 $0x180, s17  }
0xfe: {  	s15 =	sadd.s32 $0x8, s15;
	(v2sf) =	vpush v0, $0x0;
	s24 =	sor.u32 s25, s24;
	s25 =	sadd.s32 $0xFFFFFFD0, s11  }
0xff: {  	v0 =	vld [tilespmem:s15+$0xFFFFFFFC];
	[hbm4b:s25+s3] =	stream.linear.scatter [tilespmem:s24], [sflag:$0x1], $0x80, $0x38  }
0x100: {  	_ = 	snop  }
0x101: {  	s21 =	sor.u32 $0x100, s24  }
0x102: {  	[hbm4b:s22+s3] =	stream.linear.scatter [tilespmem:s21], [sflag:$0x1], $0x80, $0x38;
	[tilespmem:$0x680] =	vst v63  }
0x103: {  	s28 =	sor.u32 $0x100, s23;
	s29 =	sadd.s32 $0x70, s17  }
0x104: {  	[hbm4b:s29+s3] =	stream.linear.scatter [tilespmem:s28], [sflag:$0x1], $0x80, $0x38;
	[tilespmem:$0x680] =	vst v63  }
0x105: {  	s30 =	sor.u32 $0x200, s24;
	s31 =	sadd.s32 $0xD0, s11  }
0x106: {  	[hbm4b:s31+s3] =	stream.linear.scatter [tilespmem:s30], [sflag:$0x1], $0x80, $0x38;
	[tilespmem:$0x680] =	vst v63  }
0x107: {  	s25 =	sor.u32 $0x300, s24;
	s26 =	sadd.s32 $0x150, s11  }
0x108: {  	[hbm4b:s26+s3] =	stream.linear.scatter [tilespmem:s25], [sflag:$0x1], $0x80, $0x38;
	[tilespmem:$0x680] =	vst v63  }
0x109: {  	s30 =	sor.u32 $0x200, s23;
	s31 =	sadd.s32 $0xF0, s17;
	(v2sf) =	vpush v0, $0x0;
	v1 =	vld [tilespmem:s13+$0x1]  }
0x10a: {  	[hbm4b:s31+s3] =	stream.linear.scatter [tilespmem:s30], [sflag:$0x1], $0x80, $0x38;
	[tilespmem:$0x680] =	vst v63  }
0x10b: {  	s22 =	sor.u32 $0x300, s23;
	s23 =	sadd.s32 $0x170, s17  }
0x10c: {  	[hbm4b:s23+s3] =	stream.linear.scatter [tilespmem:s22], [sflag:$0x1], $0x80, $0x38;
	[tilespmem:$0x680] =	vst v63  }
0x10d: {  	s24 =	spop (v2sf)  }
0x10e: {  	(v2sf) =	vpush v1, $0x0;
	s25 =	sshll.u32 s24, $0x9;
	s21 =	sshll.u32 s24, $0x7  }
0x10f: {  	s22 =	sand.u32 $0xFFFFFC00, s25;
	s21 =	sand.u32 $0x80, s21  }
0x110: {  	s26 =	sadd.s32 $0xFFFFFFB0, s19;
	s21 =	sor.u32 s21, s22  }
0x111: {  	[hbm4b:s26+s3] =	stream.linear.scatter [tilespmem:s21], [sflag:$0x1], $0x80, $0x38;
	[tilespmem:$0x680] =	vst v63  }
0x112: {  	s29 =	sadd.s32 $0x30, s19;
	s28 =	sor.u32 $0x100, s21  }
0x113: {  	[hbm4b:s29+s3] =	stream.linear.scatter [tilespmem:s28], [sflag:$0x1], $0x80, $0x38;
	[tilespmem:$0x680] =	vst v63  }
0x114: {  	s31 =	sadd.s32 $0xB0, s14;
	s30 =	sor.u32 $0x200, s21  }
0x115: {  	[hbm4b:s31+s3] =	stream.linear.scatter [tilespmem:s30], [sflag:$0x1], $0x80, $0x38;
	[tilespmem:$0x680] =	vst v63  }
0x116: {  	s23 =	sadd.s32 $0x130, s14;
	v49 =	vld [tilespmem:s16+$0x3];
	s21 =	sor.u32 $0x300, s21  }
0x117: {  	[hbm4b:s23+s3] =	stream.linear.scatter [tilespmem:s21], [sflag:$0x1], $0x80, $0x38;
	[tilespmem:$0x680] =	vst v63  }
0x118: {  	s24 =	spop (v2sf);
	v50 =	vld [tilespmem:s12+$0xFFFFFFFF]  }
0x119: {  	s25 =	sshll.u32 s24, $0x9;
	s21 =	sshll.u32 s24, $0x7  }
0x11a: {  	s16 =	sadd.s32 $0x200, s19;
	s19 =	sand.u32 $0xFFFFFC00, s25;
	s21 =	sand.u32 $0x80, s21  }
0x11b: {  	(v2sf) =	vpush v49, $0x0;
	s28 =	sadd.s32 $0xFFFFFF90, s16;
	s19 =	sor.u32 s21, s19  }
0x11c: {  	[hbm4b:s28+s3] =	stream.linear.scatter [tilespmem:s19], [sflag:$0x1], $0x80, $0x38;
	[tilespmem:$0x680] =	vst v63  }
0x11d: {  	s26 =	sadd.s32 $0x10, s16;
	s29 =	spop (v2sf);
	s30 =	sor.u32 $0x100, s19;
	(v2sf) =	vpush v50, $0x0  }
0x11e: {  	s22 =	sor.u32 $0x200, s19;
	s31 =	sshll.u32 s29, $0x9;
	s23 =	sshll.u32 s29, $0x7  }
0x11f: {  	[hbm4b:s26+s3] =	stream.linear.scatter [tilespmem:s30], [sflag:$0x1], $0x80, $0x38;
	[tilespmem:$0x680] =	vst v63  }
0x120: {  	s25 =	sand.u32 $0xFFFFFC00, s31;
	s26 =	sadd.s32 $0x90, s16;
	s28 =	sand.u32 $0x80, s23  }
0x121: {  	[hbm4b:s26+s3] =	stream.linear.scatter [tilespmem:s22], [sflag:$0x1], $0x80, $0x38;
	[tilespmem:$0x680] =	vst v63  }
0x122: {  	s30 =	sadd.s32 $0xFFFFFFE0, s11;
	s21 =	sor.u32 s28, s25  }
0x123: {  	[hbm4b:s30+s3] =	stream.linear.scatter [tilespmem:s21], [sflag:$0x1], $0x80, $0x38;
	[tilespmem:$0x680] =	vst v63  }
0x124: {  	s19 =	sor.u32 $0x300, s19;
	s29 =	sadd.s32 $0x110, s16  }
0x125: {  	[hbm4b:s29+s3] =	stream.linear.scatter [tilespmem:s19], [sflag:$0x1], $0x80, $0x38;
	[tilespmem:$0x680] =	vst v63  }
0x126: {  	s31 =	sadd.s32 $0x60, s11;
	s22 =	sor.u32 $0x100, s21  }
0x127: {  	[hbm4b:s31+s3] =	stream.linear.scatter [tilespmem:s22], [sflag:$0x1], $0x80, $0x38;
	[tilespmem:$0x680] =	vst v63  }
0x128: {  	s24 =	sadd.s32 $0xE0, s11;
	s23 =	sor.u32 $0x200, s21;
	v51 =	vld [tilespmem:s15+$0xFFFFFFFD]  }
0x129: {  	[hbm4b:s24+s3] =	stream.linear.scatter [tilespmem:s23], [sflag:$0x1], $0x80, $0x38;
	[tilespmem:$0x680] =	vst v63  }
0x12a: {  	s25 =	sadd.s32 $0x160, s11;
	s21 =	sor.u32 $0x300, s21;
	s19 =	spop (v2sf)  }
0x12b: {  	[hbm4b:s25+s3] =	stream.linear.scatter [tilespmem:s21], [sflag:$0x1], $0x80, $0x38;
	[tilespmem:$0x680] =	vst v63  }
0x12c: {  	s26 =	spop (v2sf)  }
0x12d: {  	(v2sf) =	vpush v51, $0x0;
	s28 =	sshll.u32 s26, $0x9;
	s21 =	sshll.u32 s26, $0x7  }
0x12e: {  	s22 =	sand.u32 $0xFFFFFC00, s28;
	s21 =	sand.u32 $0x80, s21  }
0x12f: {  	s29 =	sadd.s32 $0xFFFFFFC0, s14;
	v52 =	vld [tilespmem:s13+$0x2];
	s21 =	sor.u32 s21, s22  }
0x130: {  	[hbm4b:s29+s3] =	stream.linear.scatter [tilespmem:s21], [sflag:$0x1], $0x80, $0x38;
	[tilespmem:$0x680] =	vst v63  }
0x131: {  	s31 =	sadd.s32 $0x40, s14;
	s30 =	sor.u32 $0x100, s21  }
0x132: {  	[hbm4b:s31+s3] =	stream.linear.scatter [tilespmem:s30], [sflag:$0x1], $0x80, $0x38;
	[tilespmem:$0x680] =	vst v63  }
0x133: {  	s25 =	sadd.s32 $0xC0, s14;
	s24 =	sor.u32 $0x200, s21  }
0x134: {  	(v2sf) =	vpush v52, $0x0;
	[hbm4b:s25+s3] =	stream.linear.scatter [tilespmem:s24], [sflag:$0x1], $0x80, $0x38;
	[tilespmem:$0x680] =	vst v63  }
0x135: {  	s26 =	sadd.s32 $0x140, s14;
	s21 =	sor.u32 $0x300, s21  }
0x136: {  	[hbm4b:s26+s3] =	stream.linear.scatter [tilespmem:s21], [sflag:$0x1], $0x80, $0x38;
	[tilespmem:$0x680] =	vst v63  }
0x137: {  	v53 =	vld [tilespmem:s12+$0x0];
	_ =	sdelay $0x4  }
0x138: {  	s28 =	spop (v2sf);
	(v2sf) =	vpush v53, $0x0  }
0x139: {  	s29 =	sshll.u32 s28, $0x9;
	s21 =	sshll.u32 s28, $0x7  }
0x13a: {  	s22 =	sand.u32 $0xFFFFFC00, s29;
	s21 =	sand.u32 $0x80, s21  }
0x13b: {  	s30 =	sadd.s32 $0xFFFFFFA0, s16;
	s21 =	sor.u32 s21, s22  }
0x13c: {  	[hbm4b:s30+s3] =	stream.linear.scatter [tilespmem:s21], [sflag:$0x1], $0x80, $0x38;
	[tilespmem:$0x680] =	vst v63  }
0x13d: {  	s25 =	sadd.s32 $0xA0, s16;
	s28 =	sadd.s32 $0x20, s16;
	s26 =	sor.u32 $0x100, s21  }
0x13e: {  	[hbm4b:s28+s3] =	stream.linear.scatter [tilespmem:s26], [sflag:$0x1], $0x80, $0x38;
	[tilespmem:$0x680] =	vst v63  }
0x13f: {  	s31 =	spop (v2sf);
	s30 =	sor.u32 $0x200, s21;
	s21 =	sor.u32 $0x300, s21  }
0x140: {  	[hbm4b:s25+s3] =	stream.linear.scatter [tilespmem:s30], [sflag:$0x1], $0x80, $0x38;
	[tilespmem:$0x680] =	vst v63  }
0x141: {  	s29 =	sshll.u32 s31, $0x9;
	s22 =	sshll.u32 s31, $0x7;
	s31 =	sadd.s32 $0x120, s16  }
0x142: {  	[hbm4b:s31+s3] =	stream.linear.scatter [tilespmem:s21], [sflag:$0x1], $0x80, $0x38;
	[tilespmem:$0x680] =	vst v63  }
0x143: {  	v54 =	vld [tilespmem:s15+$0xFFFFFFFE]  }
0x144: {  	s22 =	sand.u32 $0x80, s22;
	s25 =	sand.u32 $0xFFFFFC00, s29  }
0x145: {  	s26 =	sadd.s32 $0xFFFFFFF0, s11;
	s21 =	sor.u32 s22, s25  }
0x146: {  	[hbm4b:s26+s3] =	stream.linear.scatter [tilespmem:s21], [sflag:$0x1], $0x80, $0x38;
	[tilespmem:$0x680] =	vst v63  }
0x147: {  	s28 =	spop (v2sf)  }
0x148: {  	(v2sf) =	vpush v54, $0x0;
	s29 =	sshll.u32 s28, $0x9;
	s22 =	sshll.u32 s28, $0x7;
	s28 =	sor.u32 $0x100, s21  }
0x149: {  	s23 =	sand.u32 $0xFFFFFC00, s29;
	s22 =	sand.u32 $0x80, s22;
	s29 =	sadd.s32 $0x70, s11  }
0x14a: {  	[hbm4b:s29+s3] =	stream.linear.scatter [tilespmem:s28], [sflag:$0x1], $0x80, $0x38;
	[tilespmem:$0x680] =	vst v63  }
0x14b: {  	s30 =	sadd.s32 $0xFFFFFFD0, s14;
	s22 =	sor.u32 s22, s23  }
0x14c: {  	[hbm4b:s30+s3] =	stream.linear.scatter [tilespmem:s22], [sflag:$0x1], $0x80, $0x38;
	[tilespmem:$0x680] =	vst v63  }
0x14d: {  	s31 =	sor.u32 $0x100, s22  }
0x14e: {  	[hbm4b:s20+s3] =	stream.linear.scatter [tilespmem:s31], [sflag:$0x1], $0x80, $0x38;
	[tilespmem:$0x680] =	vst v63  }
0x14f: {  	s30 =	sor.u32 $0x200, s21;
	s31 =	sadd.s32 $0xF0, s11  }
0x150: {  	[hbm4b:s31+s3] =	stream.linear.scatter [tilespmem:s30], [sflag:$0x1], $0x80, $0x38;
	[tilespmem:$0x680] =	vst v63  }
0x151: {  	s24 =	sadd.s32 $0xD0, s14;
	s23 =	sor.u32 $0x200, s22  }
0x152: {  	[hbm4b:s24+s3] =	stream.linear.scatter [tilespmem:s23], [sflag:$0x1], $0x80, $0x38;
	[tilespmem:$0x680] =	vst v63  }
0x153: {  	s25 =	sor.u32 $0x300, s22;
	s22 =	sor.u32 $0x300, s21;
	s23 =	sadd.s32 $0x170, s11  }
0x154: {  	[hbm4b:s23+s3] =	stream.linear.scatter [tilespmem:s22], [sflag:$0x1], $0x80, $0x38;
	[tilespmem:$0x680] =	vst v63  }
0x155: {  	s26 =	sadd.s32 $0x150, s14  }
0x156: {  	[hbm4b:s26+s3] =	stream.linear.scatter [tilespmem:s25], [sflag:$0x1], $0x80, $0x38;
	[tilespmem:$0x680] =	vst v63  }
0x157: {  	v55 =	vld [tilespmem:s12+$0x1];
	s24 =	spop (v2sf)  }
0x158: {  	s25 =	sshll.u32 s24, $0x9;
	s20 =	sshll.u32 s24, $0x7  }
0x159: {  	s21 =	sand.u32 $0xFFFFFC00, s25;
	s20 =	sand.u32 $0x80, s20  }
0x15a: {  	s26 =	sadd.s32 $0xFFFFFFB0, s16;
	s20 =	sor.u32 s20, s21  }
0x15b: {  	[hbm4b:s26+s3] =	stream.linear.scatter [tilespmem:s20], [sflag:$0x1], $0x80, $0x38;
	[tilespmem:$0x680] =	vst v63  }
0x15c: {  	s29 =	sadd.s32 $0x30, s16;
	(v2sf) =	vpush v55, $0x0;
	s28 =	sor.u32 $0x100, s20  }
0x15d: {  	[hbm4b:s29+s3] =	stream.linear.scatter [tilespmem:s28], [sflag:$0x1], $0x80, $0x38;
	[tilespmem:$0x680] =	vst v63  }
0x15e: {  	s31 =	sadd.s32 $0xB0, s16;
	s30 =	sor.u32 $0x200, s20  }
0x15f: {  	[hbm4b:s31+s3] =	stream.linear.scatter [tilespmem:s30], [sflag:$0x1], $0x80, $0x38;
	[tilespmem:$0x680] =	vst v63  }
0x160: {  	s23 =	sadd.s32 $0x130, s16;
	v56 =	vld [tilespmem:s13+$0x3];
	s20 =	sor.u32 $0x300, s20  }
0x161: {  	[hbm4b:s23+s3] =	stream.linear.scatter [tilespmem:s20], [sflag:$0x1], $0x80, $0x38;
	[tilespmem:$0x680] =	vst v63  }
0x162: {  	v57 =	vld [tilespmem:s15+$0xFFFFFFFF];
	_ =	sdelay $0x2  }
0x163: {  	(v2sf) =	vpush v56, $0x0;
	_ =	sdelay $0x1  }
0x164: {  	(v2sf) =	vpush v57, $0x0;
	_ =	sdelay $0x3  }
0x165: {  	s24 =	spop (v2sf)  }
0x166: {  	s25 =	sshll.u32 s24, $0x9;
	s13 =	sshll.u32 s24, $0x7  }
0x167: {  	s20 =	sand.u32 $0xFFFFFC00, s25;
	s13 =	sand.u32 $0x80, s13  }
0x168: {  	s26 =	sadd.s32 $0xFFFFFFE0, s14;
	s20 =	sor.u32 s13, s20  }
0x169: {  	[hbm4b:s26+s3] =	stream.linear.scatter [tilespmem:s20], [sflag:$0x1], $0x80, $0x38;
	[tilespmem:$0x680] =	vst v63  }
0x16a: {  	s28 =	sadd.s32 $0x60, s14;
	s29 =	sor.u32 $0x100, s20  }
0x16b: {  	[hbm4b:s28+s3] =	stream.linear.scatter [tilespmem:s29], [sflag:$0x1], $0x80, $0x38;
	[tilespmem:$0x680] =	vst v63  }
0x16c: {  	s31 =	sadd.s32 $0xE0, s14;
	s30 =	sor.u32 $0x200, s20  }
0x16d: {  	[hbm4b:s31+s3] =	stream.linear.scatter [tilespmem:s30], [sflag:$0x1], $0x80, $0x38;
	[tilespmem:$0x680] =	vst v63  }
0x16e: {  	s22 =	sadd.s32 $0x160, s14;
	s13 =	spop (v2sf);
	s20 =	sor.u32 $0x300, s20  }
0x16f: {  	[hbm4b:s22+s3] =	stream.linear.scatter [tilespmem:s20], [sflag:$0x1], $0x80, $0x38;
	[tilespmem:$0x680] =	vst v63  }
0x170: {  	s23 =	spop (v2sf)  }
0x171: {  	s24 =	sshll.u32 s23, $0x9;
	s20 =	sshll.u32 s23, $0x7  }
0x172: {  	s21 =	sand.u32 $0xFFFFFC00, s24;
	s20 =	sand.u32 $0x80, s20  }
0x173: {  	s25 =	sadd.s32 $0xFFFFFFC0, s16;
	s20 =	sor.u32 s20, s21  }
0x174: {  	[hbm4b:s25+s3] =	stream.linear.scatter [tilespmem:s20], [sflag:$0x1], $0x80, $0x38;
	[tilespmem:$0x680] =	vst v63  }
0x175: {  	s28 =	sadd.s32 $0x40, s16;
	s26 =	sor.u32 $0x100, s20  }
0x176: {  	[hbm4b:s28+s3] =	stream.linear.scatter [tilespmem:s26], [sflag:$0x1], $0x80, $0x38;
	[tilespmem:$0x680] =	vst v63  }
0x177: {  	s30 =	sadd.s32 $0xC0, s16;
	s29 =	sor.u32 $0x200, s20  }
0x178: {  	[hbm4b:s30+s3] =	stream.linear.scatter [tilespmem:s29], [sflag:$0x1], $0x80, $0x38;
	[tilespmem:$0x680] =	vst v63  }
0x179: {  	s31 =	sadd.s32 $0x140, s16;
	s20 =	sor.u32 $0x300, s20  }
0x17a: {  	v58 =	vld [tilespmem:s12+$0x2];
	[hbm4b:s31+s3] =	stream.linear.scatter [tilespmem:s20], [sflag:$0x1], $0x80, $0x38  }
0x17b: {  	v59 =	vld [tilespmem:s15+$0x0];
	_ =	sdelay $0x3  }
0x17c: {  	(v2sf) =	vpush v58, $0x0  }
0x17d: {  	(v2sf) =	vpush v59, $0x0;
	_ =	sdelay $0xd  }
0x17e: {  	s20 =	spop (v2sf)  }
0x17f: {  	s22 =	spop (v2sf)  }
0x180: {  	s23 =	sshll.u32 s22, $0x9;
	s21 =	sshll.u32 s22, $0x7  }
0x181: {  	s22 =	sand.u32 $0xFFFFFC00, s23;
	s21 =	sand.u32 $0x80, s21  }
0x182: {  	s24 =	sadd.s32 $0xFFFFFFD0, s16;
	s21 =	sor.u32 s21, s22  }
0x183: {  	[hbm4b:s24+s3] =	stream.linear.scatter [tilespmem:s21], [sflag:$0x1], $0x80, $0x38;
	[tilespmem:$0x680] =	vst v63  }
0x184: {  	s25 =	sadd.s32 $0x50, s16;
	s26 =	sor.u32 $0x100, s21  }
0x185: {  	[hbm4b:s25+s3] =	stream.linear.scatter [tilespmem:s26], [sflag:$0x1], $0x80, $0x38;
	[tilespmem:$0x680] =	vst v63  }
0x186: {  	s29 =	sadd.s32 $0xD0, s16;
	s28 =	sor.u32 $0x200, s21  }
0x187: {  	[hbm4b:s29+s3] =	stream.linear.scatter [tilespmem:s28], [sflag:$0x1], $0x80, $0x38;
	[tilespmem:$0x680] =	vst v63  }
0x188: {  	s30 =	sadd.s32 $0x150, s16;
	s21 =	sor.u32 $0x300, s21  }
0x189: {  	[hbm4b:s30+s3] =	stream.linear.scatter [tilespmem:s21], [sflag:$0x1], $0x80, $0x38;
	[tilespmem:$0x680] =	vst v63  }
0x18a: {  	v60 =	vld [tilespmem:s15+$0x1];
	_ =	sdelay $0x4  }
0x18b: {  	(v2sf) =	vpush v60, $0x0;
	_ =	sdelay $0x4  }
0x18c: {  	s31 =	sshll.u32 s20, $0x9;
	s20 =	sshll.u32 s20, $0x7  }
0x18d: {  	s20 =	sand.u32 $0x80, s20;
	s21 =	sand.u32 $0xFFFFFC00, s31  }
0x18e: {  	s22 =	sadd.s32 $0xFFFFFFF0, s14;
	s20 =	sor.u32 s20, s21  }
0x18f: {  	[hbm4b:s22+s3] =	stream.linear.scatter [tilespmem:s20], [sflag:$0x1], $0x80, $0x38;
	[tilespmem:$0x680] =	vst v63  }
0x190: {  	s24 =	sadd.s32 $0x70, s14;
	s23 =	sor.u32 $0x100, s20  }
0x191: {  	[hbm4b:s24+s3] =	stream.linear.scatter [tilespmem:s23], [sflag:$0x1], $0x80, $0x38;
	[tilespmem:$0x680] =	vst v63  }
0x192: {  	s26 =	sadd.s32 $0xF0, s14;
	s25 =	sor.u32 $0x200, s20  }
0x193: {  	[hbm4b:s26+s3] =	stream.linear.scatter [tilespmem:s25], [sflag:$0x1], $0x80, $0x38;
	[tilespmem:$0x680] =	vst v63  }
0x194: {  	s28 =	sadd.s32 $0x170, s14;
	s20 =	sor.u32 $0x300, s20  }
0x195: {  	[hbm4b:s28+s3] =	stream.linear.scatter [tilespmem:s20], [sflag:$0x1], $0x80, $0x38;
	[tilespmem:$0x680] =	vst v63  }
0x196: {  	s29 =	spop (v2sf)  }
0x197: {  	s30 =	sshll.u32 s29, $0x9;
	s20 =	sshll.u32 s29, $0x7  }
0x198: {  	s21 =	sand.u32 $0xFFFFFC00, s30;
	s20 =	sand.u32 $0x80, s20  }
0x199: {  	s31 =	sadd.s32 $0xFFFFFFE0, s16;
	s20 =	sor.u32 s20, s21  }
0x19a: {  	[hbm4b:s31+s3] =	stream.linear.scatter [tilespmem:s20], [sflag:$0x1], $0x80, $0x38;
	[tilespmem:$0x680] =	vst v63  }
0x19b: {  	s22 =	sadd.s32 $0x60, s16;
	s23 =	sor.u32 $0x100, s20  }
0x19c: {  	[hbm4b:s22+s3] =	stream.linear.scatter [tilespmem:s23], [sflag:$0x1], $0x80, $0x38;
	[tilespmem:$0x680] =	vst v63  }
0x19d: {  	s25 =	sadd.s32 $0xE0, s16;
	s24 =	sor.u32 $0x200, s20  }
0x19e: {  	[hbm4b:s25+s3] =	stream.linear.scatter [tilespmem:s24], [sflag:$0x1], $0x80, $0x38;
	[tilespmem:$0x680] =	vst v63  }
0x19f: {  	s26 =	sadd.s32 $0x160, s16;
	s20 =	sor.u32 $0x300, s20  }
0x1a0: {  	v61 =	vld [tilespmem:s12+$0x3];
	[hbm4b:s26+s3] =	stream.linear.scatter [tilespmem:s20], [sflag:$0x1], $0x80, $0x38  }
0x1a1: {  	v62 =	vld [tilespmem:s15+$0x2];
	_ =	sdelay $0x3  }
0x1a2: {  	(v2sf) =	vpush v61, $0x0  }
0x1a3: {  	(v2sf) =	vpush v62, $0x0;
	_ =	sdelay $0x3  }
0x1a4: {  	s28 =	sshll.u32 s19, $0x9;
	s19 =	sshll.u32 s19, $0x7  }
0x1a5: {  	s12 =	sand.u32 $0xFFFFFC00, s28;
	s19 =	sand.u32 $0x80, s19  }
0x1a6: {  	s12 =	sor.u32 s19, s12  }
0x1a7: {  	[hbm4b:s17+s3] =	stream.linear.scatter [tilespmem:s12], [sflag:$0x1], $0x80, $0x38;
	[tilespmem:$0x680] =	vst v63  }
0x1a8: {  	s19 =	sor.u32 $0x100, s12;
	s29 =	sadd.s32 $0x80, s17  }
0x1a9: {  	[hbm4b:s29+s3] =	stream.linear.scatter [tilespmem:s19], [sflag:$0x1], $0x80, $0x38;
	[tilespmem:$0x680] =	vst v63  }
0x1aa: {  	s30 =	sor.u32 $0x200, s12;
	s31 =	sadd.s32 $0x100, s17  }
0x1ab: {  	[hbm4b:s31+s3] =	stream.linear.scatter [tilespmem:s30], [sflag:$0x1], $0x80, $0x38;
	[tilespmem:$0x680] =	vst v63  }
0x1ac: {  	s12 =	sor.u32 $0x300, s12  }
0x1ad: {  	[hbm4b:s18+s3] =	stream.linear.scatter [tilespmem:s12], [sflag:$0x1], $0x80, $0x38;
	[tilespmem:$0x680] =	vst v63  }
0x1ae: {  	s12 =	spop (v2sf)  }
0x1af: {  	s20 =	spop (v2sf)  }
0x1b0: {  	s21 =	sshll.u32 s20, $0x9;
	s17 =	sshll.u32 s20, $0x7  }
0x1b1: {  	s18 =	sand.u32 $0xFFFFFC00, s21;
	s17 =	sand.u32 $0x80, s17  }
0x1b2: {  	s22 =	sadd.s32 $0xFFFFFFF0, s16;
	s17 =	sor.u32 s17, s18  }
0x1b3: {  	[hbm4b:s22+s3] =	stream.linear.scatter [tilespmem:s17], [sflag:$0x1], $0x80, $0x38;
	[tilespmem:$0x680] =	vst v63  }
0x1b4: {  	s24 =	sadd.s32 $0x70, s16;
	s23 =	sor.u32 $0x100, s17  }
0x1b5: {  	[hbm4b:s24+s3] =	stream.linear.scatter [tilespmem:s23], [sflag:$0x1], $0x80, $0x38;
	[tilespmem:$0x680] =	vst v63  }
0x1b6: {  	s26 =	sadd.s32 $0xF0, s16;
	s25 =	sor.u32 $0x200, s17  }
0x1b7: {  	[hbm4b:s26+s3] =	stream.linear.scatter [tilespmem:s25], [sflag:$0x1], $0x80, $0x38;
	[tilespmem:$0x680] =	vst v63  }
0x1b8: {  	s28 =	sadd.s32 $0x170, s16;
	s17 =	sor.u32 $0x300, s17  }
0x1b9: {  	[hbm4b:s28+s3] =	stream.linear.scatter [tilespmem:s17], [sflag:$0x1], $0x80, $0x38;
	[tilespmem:$0x680] =	vst v63  }
0x1ba: {  	s29 =	sshll.u32 s13, $0x9;
	s13 =	sshll.u32 s13, $0x7;
	v63 =	vld [tilespmem:s15+$0x3]  }
0x1bb: {  	s13 =	sand.u32 $0x80, s13;
	s30 =	sand.u32 $0xFFFFFC00, s29  }
0x1bc: {  	s19 =	sadd.s32 $0x180, s11;
	s13 =	sor.u32 s13, s30  }
0x1bd: {  	[hbm4b:s11+s3] =	stream.linear.scatter [tilespmem:s13], [sflag:$0x1], $0x80, $0x38;
	[tilespmem:$0x680] =	vst v63  }
0x1be: {  	s31 =	sadd.s32 $0x80, s11;
	s20 =	sshll.u32 s12, $0x9;
	s12 =	sshll.u32 s12, $0x7  }
0x1bf: {  	s12 =	sand.u32 $0x80, s12;
	s18 =	sadd.s32 $0x100, s11;
	s11 =	sand.u32 $0xFFFFFC00, s20;
	(v2sf) =	vpush v63, $0x0  }
0x1c0: {  	s11 =	sor.u32 s12, s11  }
0x1c1: {  	[hbm4b:s14+s3] =	stream.linear.scatter [tilespmem:s11], [sflag:$0x1], $0x80, $0x38;
	[tilespmem:$0x680] =	vst v63  }
0x1c2: {  	s21 =	sadd.s32 $0x80, s14;
	s12 =	sor.u32 $0x100, s11  }
0x1c3: {  	[hbm4b:s21+s3] =	stream.linear.scatter [tilespmem:s12], [sflag:$0x1], $0x80, $0x38;
	[tilespmem:$0x680] =	vst v63  }
0x1c4: {  	s22 =	sor.u32 $0x200, s11;
	s23 =	sadd.s32 $0x100, s14  }
0x1c5: {  	[hbm4b:s23+s3] =	stream.linear.scatter [tilespmem:s22], [sflag:$0x1], $0x80, $0x38;
	[tilespmem:$0x680] =	vst v63  }
0x1c6: {  	s11 =	sor.u32 $0x300, s11;
	s24 =	sadd.s32 $0x180, s14  }
0x1c7: {  	[hbm4b:s24+s3] =	stream.linear.scatter [tilespmem:s11], [sflag:$0x1], $0x80, $0x38;
	[tilespmem:$0x680] =	vst v63  }
0x1c8: {  	s15 =	sor.u32 $0x100, s13  }
0x1c9: {  	[hbm4b:s31+s3] =	stream.linear.scatter [tilespmem:s15], [sflag:$0x1], $0x80, $0x38;
	[tilespmem:$0x680] =	vst v63  }
0x1ca: {  	s17 =	sor.u32 $0x200, s13  }
0x1cb: {  	[hbm4b:s18+s3] =	stream.linear.scatter [tilespmem:s17], [sflag:$0x1], $0x80, $0x38;
	[tilespmem:$0x680] =	vst v63  }
0x1cc: {  	s13 =	sor.u32 $0x300, s13  }
0x1cd: {  	[hbm4b:s19+s3] =	stream.linear.scatter [tilespmem:s13], [sflag:$0x1], $0x80, $0x38;
	[tilespmem:$0x680] =	vst v63  }
0x1ce: {  	s25 =	spop (v2sf)  }
0x1cf: {  	s26 =	sshll.u32 s25, $0x9;
	s11 =	sshll.u32 s25, $0x7  }
0x1d0: {  	s12 =	sand.u32 $0xFFFFFC00, s26;
	s11 =	sand.u32 $0x80, s11  }
0x1d1: {  	s11 =	sor.u32 s11, s12  }
0x1d2: {  	[hbm4b:s16+s3] =	stream.linear.scatter [tilespmem:s11], [sflag:$0x1], $0x80, $0x38;
	[tilespmem:$0x680] =	vst v63  }
0x1d3: {  	s28 =	sadd.s32 $0x80, s16;
	s12 =	sor.u32 $0x100, s11  }
0x1d4: {  	[hbm4b:s28+s3] =	stream.linear.scatter [tilespmem:s12], [sflag:$0x1], $0x80, $0x38;
	[tilespmem:$0x680] =	vst v63  }
0x1d5: {  	s30 =	sadd.s32 $0x100, s16;
	s29 =	sor.u32 $0x200, s11  }
0x1d6: {  	[hbm4b:s30+s3] =	stream.linear.scatter [tilespmem:s29], [sflag:$0x1], $0x80, $0x38;
	[tilespmem:$0x680] =	vst v63  }
0x1d7: {  	s31 =	sadd.s32 $0x180, s16;
	s11 =	sor.u32 $0x300, s11  }
0x1d8: {  	[hbm4b:s31+s3] =	stream.linear.scatter [tilespmem:s11], [sflag:$0x1], $0x80, $0x38;
	[tilespmem:$0x680] =	vst v63  }
0x1d9: {  	_ =	swait.ge [sflag:s9], $0x8000  }
0x1da: {  	[sflag:s9] =	ssyncset.done $0x0  }
0x1db: {  	[sflag:s9] =	ssyncadd.s32 $0xFFFF8000  }
0x1dc: {  	_ =	swait.ge [sflag:s9], $0x8000  }
0x1dd: {  	[sflag:s9] =	ssyncset.done $0x0  }
0x1de: {  	[sflag:s9] =	ssyncadd.s32 $0xFFFF8000  }
0x1df: {  	_ =	swait.ge [sflag:s9], $0x8000  }
0x1e0: {  	[sflag:s9] =	ssyncset.done $0x0  }
0x1e1: {  	[sflag:s9] =	ssyncadd.s32 $0xFFFF8000  }
0x1e2: {  	_ =	swait.ge [sflag:s9], $0x8000  }
0x1e3: {  	[sflag:s9] =	ssyncset.done $0x0  }
0x1e4: {  	[sflag:s9] =	ssyncadd.s32 $0xFFFF8000  }
0x1e5: {  	_ =	swait.ge [sflag:s9], $0x8000  }
0x1e6: {  	[sflag:s9] =	ssyncset.done $0x0  }
0x1e7: {  	[sflag:s9] =	ssyncadd.s32 $0xFFFF8000  }
0x1e8: {  	_ =	swait.ge [sflag:s9], $0x8000  }
0x1e9: {  	[sflag:s9] =	ssyncset.done $0x0  }
0x1ea: {  	s10 =	sadd.s32 $0x1, s10;
	[sflag:s9] =	ssyncadd.s32 $0xFFFF8000  }
0x1eb: {  	p0 =	sne.s32 s10, s5;
	_ =	swait.ge [sflag:s9], $0x8000  }
.Ltmp1:
0x1ec: {  	[sflag:s9] =	ssyncset.done $0x0;
	(pc) =	sbr.rel @p0 .LBB2_1-.Ltmp1, $4  }
0x1ed: {  	[sflag:s9] =	ssyncadd.s32 $0xFFFF8000  }
0x1ee: {  	_ =	swait.ge [sflag:s9], $0x8000  }
0x1ef: {  	[sflag:s9] =	ssyncset.done $0x0  }
0x1f0: {  	[sflag:s9] =	ssyncadd.s32 $0xFFFF8000  }
0x1f1: {  	_ =	sfence.sel $0x180000  }
0x1f2: {  	[bflag:$0x0] =	sbarrier.arrive $0xFFFF  }
0x1f3: {  	p0 =	sne.s32 s2, $0x0;
	_ =	strace $0x90000047  }
0x1f4: {  	s0 =	sadd.s32 @!p0 $0x100000, s0;
	[bflag:$0x2] =	sbarrier.arrive $0xFFFF  }
0x1f5: {  	[sflag:s0] =	ssyncadd.tile.s32 @!p0 $0x1;
	_ =	shalt  }
.Lfunc_end2:
_tile_overlayer_lowered:
.L_overlay_start_2:
0x1f6: {  	(tag) =	ssettag $0x2  }
0x1f7: {  	s0 =	rddreg [dreg:$0x0];
	s2 =	stileid.u32  }
0x1f8: {  	s1 =	rddreg [dreg:$0x1];
	p0 =	sne.s32 s2, $0x0  }
0x1f9: {  	s3 =	rddreg [dreg:$0x2];
	[bflag:$0x3] =	sbarrier.arrive $0xFFFF;
	s2 =	simm.s32 @!p0 $0x1C02  }
0x1fa: {  	[timem:s3], [sflag:s2] =	dma.local @!p0 [hbm:s0], s1  }
0x1fb: {  	s0 =	simm.s32 @!p0 $0x2  }
0x1fc: {  	_ =	swait.ge @!p0 [sflag:s0], s1  }
0x1fd: {  	s1 =	ssub.s32 @!p0 $0x0, s1;
	[sflag:s0] =	ssyncset.done @!p0 $0x0  }
0x1fe: {  	[sflag:s0] =	ssyncadd.s32 @!p0 s1  }
0x1ff: {  	[bflag:$0x3] =	sbarrier.arrive $0xFFFF  }
0x200: {  	_ =	shalt  }

</sc_bundles>
